<compile_context>
chip_gen: v7x
topology: tpu7x:2x2x1
jax: 0.10.2.dev20260603
libtpu: 0.0.44.dev20260713+nightly
codegen_flags: <defaults>
</compile_context>

<pallas_src>
import jax
import jax.numpy as jnp
import numpy as np
from jax import lax
from jax.experimental import pallas as pl

_NNODES = 2000
_K = 30
_DIM = 64
_ALPHA = 3.0
_BR = 40
_NB = _NNODES // _BR


def _threefry2x32(keypair, x1, x2):
    def rotl(x, d):
        return (x << np.uint32(d)) | (x >> np.uint32(32 - d))

    def round4(x1, x2, rots):
        for r in rots:
            x1 = (x1 + x2).astype(np.uint32)
            x2 = rotl(x2, r).astype(np.uint32)
            x2 = (x1 ^ x2).astype(np.uint32)
        return x1, x2

    ks0, ks1 = np.uint32(keypair[0]), np.uint32(keypair[1])
    ks2 = np.uint32(np.uint32(0x1BD11BDA) ^ ks0 ^ ks1)
    ra, rb = (13, 15, 26, 6), (17, 29, 16, 24)
    x1 = (x1 + ks0).astype(np.uint32)
    x2 = (x2 + ks1).astype(np.uint32)
    for i, (rots, ka, kb) in enumerate(
            [(ra, ks1, ks2), (rb, ks2, ks0), (ra, ks0, ks1),
             (rb, ks1, ks2), (ra, ks2, ks0)]):
        x1, x2 = round4(x1, x2, rots)
        x1 = (x1 + ka).astype(np.uint32)
        x2 = (x2 + kb + np.uint32(i + 1)).astype(np.uint32)
    return x1, x2


def _build_noise():
    n = _NNODES * _NNODES
    parts = []
    with np.errstate(over="ignore"):
        for t in range(4):
            ka, kb = _threefry2x32((np.uint32(0), np.uint32(42)),
                                   np.uint32(0), np.uint32(t))
            a, b = _threefry2x32((ka, kb), np.zeros(n, np.uint32),
                                 np.arange(n, dtype=np.uint32))
            bits = (a ^ b).astype(np.uint32)
            fb = ((bits >> np.uint32(9)) | np.uint32(0x3F800000)).astype(np.uint32)
            u = fb.view(np.float32) - np.float32(1.0)
            parts.append((u * np.float32(0.01)).reshape(_NNODES, _NNODES))
    return np.stack(parts)


_NOISE = _build_noise()


def _prep_body(emb_ref, w_ref, b_ref, nv_ref, ham_ref):
    x = lax.dot_general(emb_ref[:], w_ref[:], (((1,), (1,)), ((), ())),
                        preferred_element_type=jnp.float32)
    nv = jnp.tanh(_ALPHA * (x + b_ref[:]))
    nv_ref[:] = nv
    r = nv[:, 0:64]
    i = nv[:, 64:128]
    j = nv[:, 128:192]
    k = nv[:, 192:256]
    ham_ref[:] = jnp.concatenate([
        jnp.concatenate([r, -i, -j, -k], axis=1),
        jnp.concatenate([i, r, -k, j], axis=1),
        jnp.concatenate([j, k, r, -i], axis=1),
        jnp.concatenate([k, -j, i, r], axis=1)], axis=0)


_ROWS = 4 * _BR


def _main_body(nv_ref, ham_ref, nz_ref, o0_ref, o1_ref, o2_ref, o3_ref):
    hb = ham_ref[:].reshape(_ROWS, 4 * _DIM)
    a = lax.dot_general(hb, nv_ref[:], (((1,), (1,)), ((), ())),
                        preferred_element_type=jnp.float32)
    p = jnp.maximum(jnp.tanh(_ALPHA * a), 0.0)
    v = p + nz_ref[:].reshape(_ROWS, _NNODES)

    def count_ge(mid):
        mid_f = lax.bitcast_convert_type(mid, jnp.float32)
        return jnp.sum((v >= mid_f).astype(jnp.int32), axis=1, keepdims=True)

    one_bits = jnp.int32(0x3F800000)
    c_sat = count_ge(jnp.full((_ROWS, 1), one_bits, jnp.int32))
    row_max = jnp.max(v, axis=1, keepdims=True)
    lo0 = jnp.where(c_sat >= _K, one_bits, 0)
    hi0 = lax.bitcast_convert_type(row_max, jnp.int32) + 1

    def bstep(carry):
        lo, hi = carry
        mid = (lo + hi) >> 1
        ge = count_ge(mid) >= _K
        return jnp.where(ge, mid, lo), jnp.where(ge, hi, mid)

    bcarry = (lo0, hi0)
    for _ in range(17):
        bcarry = bstep(bcarry)
    thresh, _ = lax.cond(
        jnp.max(bcarry[1] - bcarry[0]) <= 1,
        lambda c: c,
        lambda c: lax.fori_loop(0, 13, lambda i, c: bstep(c), c),
        bcarry)

    thresh_f = lax.bitcast_convert_type(thresh, jnp.float32)
    ge = v >= thresh_f
    c_ge = count_ge(thresh)
    no_ties = jnp.all(c_ge == _K)

    outs = (o0_ref, o1_ref, o2_ref, o3_ref)

    def write(res):
        for t in range(4):
            outs[t][...] = res[t * _BR:(t + 1) * _BR]

    @pl.when(no_ties)
    def _():
        write(jnp.where(ge, p, 0.0))

    @pl.when(jnp.logical_not(no_ties))
    def _():
        gt = v > thresh_f
        c_gt = jnp.sum(gt.astype(jnp.int32), axis=1, keepdims=True)
        m = _K - c_gt
        eq = v == thresh_f
        csum = eq.astype(jnp.int32)
        sh = 1
        while sh < _NNODES:
            z = jnp.zeros((_ROWS, sh), jnp.int32)
            csum = csum + jnp.concatenate([z, csum[:, :_NNODES - sh]], axis=1)
            sh *= 2
        mask = gt | (eq & (csum <= m))
        write(jnp.where(mask, p, 0.0))


def kernel(idx, emb, W, b):
    emb = jnp.take(emb, idx, axis=0)
    nv, ham = pl.pallas_call(
        _prep_body,
        out_shape=[
            jax.ShapeDtypeStruct((_NNODES, 4 * _DIM), jnp.float32),
            jax.ShapeDtypeStruct((4 * _NNODES, 4 * _DIM), jnp.float32),
        ],
    )(emb, W, b.reshape(1, -1))
    ham4 = ham.reshape(4, _NNODES, 4 * _DIM)
    part_shape = jax.ShapeDtypeStruct((_NNODES, _NNODES), jnp.float32)
    out = pl.pallas_call(
        _main_body,
        grid=(_NB,),
        in_specs=[
            pl.BlockSpec((_NNODES, 4 * _DIM), lambda rb: (0, 0)),
            pl.BlockSpec((4, _BR, 4 * _DIM), lambda rb: (0, rb, 0)),
            pl.BlockSpec((4, _BR, _NNODES), lambda rb: (0, rb, 0)),
        ],
        out_specs=[pl.BlockSpec((_BR, _NNODES), lambda rb: (rb, 0))] * 4,
        out_shape=[part_shape] * 4,
    )(nv, ham4, _NOISE)
    return tuple(out)

# --- scband reference (transcript-rebuilt; emitter-appended) ---
"""Pipeline reference for scband-graph-constructor-quaternion-11338713661512 (READ-ONLY COPY).

The authoritative reference and input builder live on the scoring server;
editing this copy changes nothing except your own understanding.
"""

import jax, jax.numpy as jnp
import numpy as np

NNODES = 2000
K = 30
DIM = 64
ALPHA = 3.0


def setup_inputs(seed: int = 0) -> dict:
    key = jax.random.key(seed)
    k1, k2, k3 = jax.random.split(key, 3)
    idx = jnp.arange(NNODES, dtype=jnp.int32)
    # nn.Embedding default init: N(0, 1)
    emb = jax.random.normal(k1, (NNODES, DIM), dtype=jnp.float32)
    # nn.Linear(dim, 4*dim): weight [4*dim, dim], bias [4*dim]
    bound = 1.0 / np.sqrt(DIM)
    W = jax.random.uniform(k2, (4 * DIM, DIM), dtype=jnp.float32, minval=-bound, maxval=bound)
    b = jax.random.uniform(k3, (4 * DIM,), dtype=jnp.float32, minval=-bound, maxval=bound)
    return {"idx": idx, "emb": emb, "W": W, "b": b}


def reference(idx, emb, W, b):
    nodevec1 = jnp.take(emb, idx, axis=0)
    nodevec2 = jnp.take(emb, idx, axis=0)
    nodevec1 = jnp.tanh(ALPHA * (nodevec1 @ W.T + b))
    nodevec2 = jnp.tanh(ALPHA * (nodevec2 @ W.T + b))
    r, i, j, k = jnp.split(nodevec1, 4, axis=1)
    r2 = jnp.concatenate([r, -i, -j, -k], axis=1)
    i2 = jnp.concatenate([i, r, -k, j], axis=1)
    j2 = jnp.concatenate([j, k, r, -i], axis=1)
    k2 = jnp.concatenate([k, -j, i, r], axis=1)
    hamilton1 = jnp.concatenate([r2, i2, j2, k2], axis=0)
    a = hamilton1 @ nodevec2.T
    adj = jax.nn.relu(jnp.tanh(ALPHA * a))
    parts = jnp.split(adj, 4, axis=0)
    nkey = jax.random.key(42)
    row_idx = jnp.arange(parts[0].shape[0])[:, None]
    outs = []
    for t, p in enumerate(parts):
        noise = jax.random.uniform(jax.random.fold_in(nkey, t), p.shape, dtype=jnp.float32) * 0.01
        _, t1 = jax.lax.top_k(p + noise, K)
        mask = jnp.zeros_like(p).at[row_idx, t1].set(1.0)
        outs.append(p * mask)
    return tuple(outs)

if __name__ == "__main__":
    import jax
    _d = setup_inputs()
    print(jax.jit(kernel)(*tuple(_d.values())))

</pallas_src>

<mosaic_0001>
module attributes {stable_mosaic.version = 14 : i64} {
  func.func @_prep_body(%arg0: memref<2000x64xf32, #tpu.memory_space<vmem>>, %arg1: memref<256x64xf32, #tpu.memory_space<vmem>>, %arg2: memref<1x256xf32, #tpu.memory_space<vmem>>, %arg3: memref<2000x256xf32, #tpu.memory_space<vmem>>, %arg4: memref<8000x256xf32, #tpu.memory_space<vmem>>) attributes {dimension_semantics = [], scalar_prefetch = 0 : i64, scratch_operands = 0 : i64, tpu.core_type = #tpu.core_type<tc>} {
    %get3A = arith.constant 0 : index
    %get3A_0 = arith.constant 0 : index
    %get3A_1 = vector.load %arg0[%get3A, %get3A_0] : memref<2000x64xf32, #tpu.memory_space<vmem>>, vector<2000x64xf32>
    %get3A_2 = arith.constant 0 : index
    %get3A_3 = arith.constant 0 : index
    %get3A_4 = vector.load %arg1[%get3A_2, %get3A_3] : memref<256x64xf32, #tpu.memory_space<vmem>>, vector<256x64xf32>
    %dot_general3A = arith.constant dense<0.000000e+00> : vector<2000x256xf32>
    %dot_general3A_5 = tpu.matmul %get3A_1, %get3A_4, %dot_general3A {dimension_numbers = #tpu.dot_dimension_numbers<[1], [1], [0], [0], [0, 0, 1, 0], [], []>, transpose_lhs_hint = false} : vector<2000x64xf32>, vector<256x64xf32>, vector<2000x256xf32> -> vector<2000x256xf32>
    %get3A_6 = arith.constant 0 : index
    %get3A_7 = arith.constant 0 : index
    %get3A_8 = vector.load %arg2[%get3A_6, %get3A_7] : memref<1x256xf32, #tpu.memory_space<vmem>>, vector<1x256xf32>
    %add3A = vector.broadcast %get3A_8 : vector<1x256xf32> to vector<2000x256xf32>
    %add3A_9 = arith.addf %dot_general3A_5, %add3A : vector<2000x256xf32>
    %mul3A = arith.constant 3.000000e+00 : f32
    %mul3A_10 = vector.broadcast %mul3A : f32 to vector<2000x256xf32>
    %mul3A_11 = arith.mulf %mul3A_10, %add3A_9 : vector<2000x256xf32>
    %tanh3A = math.tanh %mul3A_11 : vector<2000x256xf32>
    %swap3A = arith.constant 0 : index
    %swap3A_12 = arith.constant 0 : index
    %swap3A_13 = vector.load %arg3[%swap3A, %swap3A_12] : memref<2000x256xf32, #tpu.memory_space<vmem>>, vector<2000x256xf32>
    tpu.vector_store %arg3[%swap3A, %swap3A_12], %tanh3A {strides = array<i32>} : memref<2000x256xf32, #tpu.memory_space<vmem>>, vector<2000x256xf32>,
    %slice3A = vector.extract_strided_slice %tanh3A {offsets = [0, 0], sizes = [2000, 64], strides = [1, 1]} : vector<2000x256xf32> to vector<2000x64xf32>
    %slice3A_14 = vector.extract_strided_slice %tanh3A {offsets = [0, 64], sizes = [2000, 64], strides = [1, 1]} : vector<2000x256xf32> to vector<2000x64xf32>
    %slice3A_15 = vector.extract_strided_slice %tanh3A {offsets = [0, 128], sizes = [2000, 64], strides = [1, 1]} : vector<2000x256xf32> to vector<2000x64xf32>
    %slice3A_16 = vector.extract_strided_slice %tanh3A {offsets = [0, 192], sizes = [2000, 64], strides = [1, 1]} : vector<2000x256xf32> to vector<2000x64xf32>
    %neg3A = arith.constant 0.000000e+00 : f32
    %neg3A_17 = vector.broadcast %neg3A : f32 to vector<2000x64xf32>
    %neg3A_18 = arith.subf %neg3A_17, %slice3A_14 : vector<2000x64xf32>
    %neg3A_19 = arith.constant 0.000000e+00 : f32
    %neg3A_20 = vector.broadcast %neg3A_19 : f32 to vector<2000x64xf32>
    %neg3A_21 = arith.subf %neg3A_20, %slice3A_15 : vector<2000x64xf32>
    %neg3A_22 = arith.constant 0.000000e+00 : f32
    %neg3A_23 = vector.broadcast %neg3A_22 : f32 to vector<2000x64xf32>
    %neg3A_24 = arith.subf %neg3A_23, %slice3A_16 : vector<2000x64xf32>
    %concatenate3A = tpu.concatenate %slice3A, %neg3A_18, %neg3A_21, %neg3A_24 in 1 : vector<2000x64xf32>, vector<2000x64xf32>, vector<2000x64xf32>, vector<2000x64xf32> -> vector<2000x256xf32>
    %neg3A_25 = arith.constant 0.000000e+00 : f32
    %neg3A_26 = vector.broadcast %neg3A_25 : f32 to vector<2000x64xf32>
    %neg3A_27 = arith.subf %neg3A_26, %slice3A_16 : vector<2000x64xf32>
    %concatenate3A_28 = tpu.concatenate %slice3A_14, %slice3A, %neg3A_27, %slice3A_15 in 1 : vector<2000x64xf32>, vector<2000x64xf32>, vector<2000x64xf32>, vector<2000x64xf32> -> vector<2000x256xf32>
    %neg3A_29 = arith.constant 0.000000e+00 : f32
    %neg3A_30 = vector.broadcast %neg3A_29 : f32 to vector<2000x64xf32>
    %neg3A_31 = arith.subf %neg3A_30, %slice3A_14 : vector<2000x64xf32>
    %concatenate3A_32 = tpu.concatenate %slice3A_15, %slice3A_16, %slice3A, %neg3A_31 in 1 : vector<2000x64xf32>, vector<2000x64xf32>, vector<2000x64xf32>, vector<2000x64xf32> -> vector<2000x256xf32>
    %neg3A_33 = arith.constant 0.000000e+00 : f32
    %neg3A_34 = vector.broadcast %neg3A_33 : f32 to vector<2000x64xf32>
    %neg3A_35 = arith.subf %neg3A_34, %slice3A_15 : vector<2000x64xf32>
    %concatenate3A_36 = tpu.concatenate %slice3A_16, %neg3A_35, %slice3A_14, %slice3A in 1 : vector<2000x64xf32>, vector<2000x64xf32>, vector<2000x64xf32>, vector<2000x64xf32> -> vector<2000x256xf32>
    %concatenate3A_37 = tpu.concatenate %concatenate3A, %concatenate3A_28, %concatenate3A_32, %concatenate3A_36 in 0 : vector<2000x256xf32>, vector<2000x256xf32>, vector<2000x256xf32>, vector<2000x256xf32> -> vector<8000x256xf32>
    %swap3A_38 = arith.constant 0 : index
    %swap3A_39 = arith.constant 0 : index
    %swap3A_40 = vector.load %arg4[%swap3A_38, %swap3A_39] : memref<8000x256xf32, #tpu.memory_space<vmem>>, vector<8000x256xf32>
    tpu.vector_store %arg4[%swap3A_38, %swap3A_39], %concatenate3A_37 {strides = array<i32>} : memref<8000x256xf32, #tpu.memory_space<vmem>>, vector<8000x256xf32>,
    return
  }
}

module attributes {stable_mosaic.version = 14 : i64} {
  func.func @_main_body(%arg0: i32, %arg1: memref<2000x256xf32, #tpu.memory_space<vmem>>, %arg2: memref<4x40x256xf32, #tpu.memory_space<vmem>>, %arg3: memref<4x40x2000xf32, #tpu.memory_space<vmem>>, %arg4: memref<40x2000xf32, #tpu.memory_space<vmem>>, %arg5: memref<40x2000xf32, #tpu.memory_space<vmem>>, %arg6: memref<40x2000xf32, #tpu.memory_space<vmem>>, %arg7: memref<40x2000xf32, #tpu.memory_space<vmem>>) attributes {dimension_semantics = [#tpu.dimension_semantics<arbitrary>], iteration_bounds = array<i64: 50>, scalar_prefetch = 0 : i64, scratch_operands = 0 : i64, tpu.core_type = #tpu.core_type<tc>, window_params = [{pipeline_mode = #tpu.pipeline_mode<synchronous>, transform_indices = @transform_0, window_bounds = array<i64: 2000, 256>}, {transform_indices = @transform_1, window_bounds = array<i64: 4, 40, 256>}, {transform_indices = @transform_2, window_bounds = array<i64: 4, 40, 2000>}, {transform_indices = @transform_3, window_bounds = array<i64: 40, 2000>}, {transform_indices = @transform_4, window_bounds = array<i64: 40, 2000>}, {transform_indices = @transform_5, window_bounds = array<i64: 40, 2000>}, {transform_indices = @transform_6, window_bounds = array<i64: 40, 2000>}]} {
    %get3A = arith.constant 0 : index
    %get3A_0 = arith.constant 0 : index
    %get3A_1 = arith.constant 0 : index
    %get3A_2 = vector.load %arg2[%get3A, %get3A_0, %get3A_1] : memref<4x40x256xf32, #tpu.memory_space<vmem>>, vector<4x40x256xf32>
    %reshape3A = vector.shape_cast %get3A_2 : vector<4x40x256xf32> to vector<160x256xf32>
    %get3A_3 = arith.constant 0 : index
    %get3A_4 = arith.constant 0 : index
    %get3A_5 = vector.load %arg1[%get3A_3, %get3A_4] : memref<2000x256xf32, #tpu.memory_space<vmem>>, vector<2000x256xf32>
    %dot_general3A = arith.constant dense<0.000000e+00> : vector<160x2000xf32>
    %dot_general3A_6 = tpu.matmul %reshape3A, %get3A_5, %dot_general3A {dimension_numbers = #tpu.dot_dimension_numbers<[1], [1], [0], [0], [0, 0, 1, 0], [], []>, transpose_lhs_hint = false} : vector<160x256xf32>, vector<2000x256xf32>, vector<160x2000xf32> -> vector<160x2000xf32>
    %mul3A = arith.constant 3.000000e+00 : f32
    %mul3A_7 = vector.broadcast %mul3A : f32 to vector<160x2000xf32>
    %mul3A_8 = arith.mulf %mul3A_7, %dot_general3A_6 : vector<160x2000xf32>
    %tanh3A = math.tanh %mul3A_8 : vector<160x2000xf32>
    %max3A = arith.constant 0.000000e+00 : f32
    %max3A_9 = vector.broadcast %max3A : f32 to vector<160x2000xf32>
    %max3A_10 = arith.maximumf %tanh3A, %max3A_9 : vector<160x2000xf32>
    %get3A_11 = arith.constant 0 : index
    %get3A_12 = arith.constant 0 : index
    %get3A_13 = arith.constant 0 : index
    %get3A_14 = vector.load %arg3[%get3A_11, %get3A_12, %get3A_13] : memref<4x40x2000xf32, #tpu.memory_space<vmem>>, vector<4x40x2000xf32>
    %reshape3A_15 = vector.shape_cast %get3A_14 : vector<4x40x2000xf32> to vector<160x2000xf32>
    %add3A = arith.addf %max3A_10, %reshape3A_15 : vector<160x2000xf32>
    %broadcast_in_dim3A = arith.constant 1065353216 : i32
    %broadcast_in_dim3A_16 = vector.broadcast %broadcast_in_dim3A : i32 to vector<160x1xi32>
    %bitcast_convert_type3A = tpu.bitcast %broadcast_in_dim3A_16 : vector<160x1xi32> -> vector<160x1xf32>
    %ge3A = vector.broadcast %bitcast_convert_type3A : vector<160x1xf32> to vector<160x2000xf32>
    %ge3A_17 = arith.cmpf oge, %add3A, %ge3A : vector<160x2000xf32>
    %convert_element_type3A = arith.extui %ge3A_17 : vector<160x2000xi1> to vector<160x2000xi32>
    %reduce_sum3A = arith.constant dense<0> : vector<160xi32>
    %reduce_sum3A_18 = vector.multi_reduction <add>, %convert_element_type3A, %reduce_sum3A [1] : vector<160x2000xi32> to vector<160xi32>
    %broadcast_in_dim3A_19 = vector.shape_cast %reduce_sum3A_18 : vector<160xi32> to vector<160x1xi32>
    %reduce_max3A = arith.constant dense<0xFF800000> : vector<160xf32>
    %reduce_max3A_20 = vector.multi_reduction <maximumf>, %add3A, %reduce_max3A [1] : vector<160x2000xf32> to vector<160xf32>
    %broadcast_in_dim3A_21 = vector.shape_cast %reduce_max3A_20 : vector<160xf32> to vector<160x1xf32>
    %ge3A_22 = arith.constant 30 : i32
    %ge3A_23 = vector.broadcast %ge3A_22 : i32 to vector<160x1xi32>
    %ge3A_24 = arith.cmpi sge, %broadcast_in_dim3A_19, %ge3A_23 : vector<160x1xi32>
    %jit3A = arith.constant 1065353216 : i32
    %jit3A_25 = arith.constant 0 : i32
    %broadcast_in_dim3A_26 = vector.broadcast %jit3A : i32 to vector<160x1xi32>
    %broadcast_in_dim3A_27 = vector.broadcast %jit3A_25 : i32 to vector<160x1xi32>
    %select_n3A = arith.select %ge3A_24, %broadcast_in_dim3A_26, %broadcast_in_dim3A_27 : vector<160x1xi1>, vector<160x1xi32>
    %bitcast_convert_type3A_28 = tpu.bitcast %broadcast_in_dim3A_21 : vector<160x1xf32> -> vector<160x1xi32>
    %add3A_29 = arith.constant 1 : i32
    %add3A_30 = vector.broadcast %add3A_29 : i32 to vector<160x1xi32>
    %add3A_31 = arith.addi %bitcast_convert_type3A_28, %add3A_30 : vector<160x1xi32>
    %add3A_32 = arith.addi %select_n3A, %add3A_31 : vector<160x1xi32>
    %shift_right_arithmetic3A = arith.constant 1 : i32
    %shift_right_arithmetic3A_33 = vector.broadcast %shift_right_arithmetic3A : i32 to vector<160x1xi32>
    %shift_right_arithmetic3A_34 = arith.shrsi %add3A_32, %shift_right_arithmetic3A_33 : vector<160x1xi32>
    %bitcast_convert_type3A_35 = tpu.bitcast %shift_right_arithmetic3A_34 : vector<160x1xi32> -> vector<160x1xf32>
    %ge3A_36 = vector.broadcast %bitcast_convert_type3A_35 : vector<160x1xf32> to vector<160x2000xf32>
    %ge3A_37 = arith.cmpf oge, %add3A, %ge3A_36 : vector<160x2000xf32>
    %convert_element_type3A_38 = arith.extui %ge3A_37 : vector<160x2000xi1> to vector<160x2000xi32>
    %reduce_sum3A_39 = arith.constant dense<0> : vector<160xi32>
    %reduce_sum3A_40 = vector.multi_reduction <add>, %convert_element_type3A_38, %reduce_sum3A_39 [1] : vector<160x2000xi32> to vector<160xi32>
    %broadcast_in_dim3A_41 = vector.shape_cast %reduce_sum3A_40 : vector<160xi32> to vector<160x1xi32>
    %ge3A_42 = arith.constant 30 : i32
    %ge3A_43 = vector.broadcast %ge3A_42 : i32 to vector<160x1xi32>
    %ge3A_44 = arith.cmpi sge, %broadcast_in_dim3A_41, %ge3A_43 : vector<160x1xi32>
    %select_n3A_45 = arith.select %ge3A_44, %shift_right_arithmetic3A_34, %select_n3A : vector<160x1xi1>, vector<160x1xi32>
    %select_n3A_46 = arith.select %ge3A_44, %add3A_31, %shift_right_arithmetic3A_34 : vector<160x1xi1>, vector<160x1xi32>
    %add3A_47 = arith.addi %select_n3A_45, %select_n3A_46 : vector<160x1xi32>
    %shift_right_arithmetic3A_48 = arith.constant 1 : i32
    %shift_right_arithmetic3A_49 = vector.broadcast %shift_right_arithmetic3A_48 : i32 to vector<160x1xi32>
    %shift_right_arithmetic3A_50 = arith.shrsi %add3A_47, %shift_right_arithmetic3A_49 : vector<160x1xi32>
    %bitcast_convert_type3A_51 = tpu.bitcast %shift_right_arithmetic3A_50 : vector<160x1xi32> -> vector<160x1xf32>
    %ge3A_52 = vector.broadcast %bitcast_convert_type3A_51 : vector<160x1xf32> to vector<160x2000xf32>
    %ge3A_53 = arith.cmpf oge, %add3A, %ge3A_52 : vector<160x2000xf32>
    %convert_element_type3A_54 = arith.extui %ge3A_53 : vector<160x2000xi1> to vector<160x2000xi32>
    %reduce_sum3A_55 = arith.constant dense<0> : vector<160xi32>
    %reduce_sum3A_56 = vector.multi_reduction <add>, %convert_element_type3A_54, %reduce_sum3A_55 [1] : vector<160x2000xi32> to vector<160xi32>
    %broadcast_in_dim3A_57 = vector.shape_cast %reduce_sum3A_56 : vector<160xi32> to vector<160x1xi32>
    %ge3A_58 = arith.constant 30 : i32
    %ge3A_59 = vector.broadcast %ge3A_58 : i32 to vector<160x1xi32>
    %ge3A_60 = arith.cmpi sge, %broadcast_in_dim3A_57, %ge3A_59 : vector<160x1xi32>
    %select_n3A_61 = arith.select %ge3A_60, %shift_right_arithmetic3A_50, %select_n3A_45 : vector<160x1xi1>, vector<160x1xi32>
    %select_n3A_62 = arith.select %ge3A_60, %select_n3A_46, %shift_right_arithmetic3A_50 : vector<160x1xi1>, vector<160x1xi32>
    %add3A_63 = arith.addi %select_n3A_61, %select_n3A_62 : vector<160x1xi32>
    %shift_right_arithmetic3A_64 = arith.constant 1 : i32
    %shift_right_arithmetic3A_65 = vector.broadcast %shift_right_arithmetic3A_64 : i32 to vector<160x1xi32>
    %shift_right_arithmetic3A_66 = arith.shrsi %add3A_63, %shift_right_arithmetic3A_65 : vector<160x1xi32>
    %bitcast_convert_type3A_67 = tpu.bitcast %shift_right_arithmetic3A_66 : vector<160x1xi32> -> vector<160x1xf32>
    %ge3A_68 = vector.broadcast %bitcast_convert_type3A_67 : vector<160x1xf32> to vector<160x2000xf32>
    %ge3A_69 = arith.cmpf oge, %add3A, %ge3A_68 : vector<160x2000xf32>
    %convert_element_type3A_70 = arith.extui %ge3A_69 : vector<160x2000xi1> to vector<160x2000xi32>
    %reduce_sum3A_71 = arith.constant dense<0> : vector<160xi32>
    %reduce_sum3A_72 = vector.multi_reduction <add>, %convert_element_type3A_70, %reduce_sum3A_71 [1] : vector<160x2000xi32> to vector<160xi32>
    %broadcast_in_dim3A_73 = vector.shape_cast %reduce_sum3A_72 : vector<160xi32> to vector<160x1xi32>
    %ge3A_74 = arith.constant 30 : i32
    %ge3A_75 = vector.broadcast %ge3A_74 : i32 to vector<160x1xi32>
    %ge3A_76 = arith.cmpi sge, %broadcast_in_dim3A_73, %ge3A_75 : vector<160x1xi32>
    %select_n3A_77 = arith.select %ge3A_76, %shift_right_arithmetic3A_66, %select_n3A_61 : vector<160x1xi1>, vector<160x1xi32>
    %select_n3A_78 = arith.select %ge3A_76, %select_n3A_62, %shift_right_arithmetic3A_66 : vector<160x1xi1>, vector<160x1xi32>
    %add3A_79 = arith.addi %select_n3A_77, %select_n3A_78 : vector<160x1xi32>
    %shift_right_arithmetic3A_80 = arith.constant 1 : i32
    %shift_right_arithmetic3A_81 = vector.broadcast %shift_right_arithmetic3A_80 : i32 to vector<160x1xi32>
    %shift_right_arithmetic3A_82 = arith.shrsi %add3A_79, %shift_right_arithmetic3A_81 : vector<160x1xi32>
    %bitcast_convert_type3A_83 = tpu.bitcast %shift_right_arithmetic3A_82 : vector<160x1xi32> -> vector<160x1xf32>
    %ge3A_84 = vector.broadcast %bitcast_convert_type3A_83 : vector<160x1xf32> to vector<160x2000xf32>
    %ge3A_85 = arith.cmpf oge, %add3A, %ge3A_84 : vector<160x2000xf32>
    %convert_element_type3A_86 = arith.extui %ge3A_85 : vector<160x2000xi1> to vector<160x2000xi32>
    %reduce_sum3A_87 = arith.constant dense<0> : vector<160xi32>
    %reduce_sum3A_88 = vector.multi_reduction <add>, %convert_element_type3A_86, %reduce_sum3A_87 [1] : vector<160x2000xi32> to vector<160xi32>
    %broadcast_in_dim3A_89 = vector.shape_cast %reduce_sum3A_88 : vector<160xi32> to vector<160x1xi32>
    %ge3A_90 = arith.constant 30 : i32
    %ge3A_91 = vector.broadcast %ge3A_90 : i32 to vector<160x1xi32>
    %ge3A_92 = arith.cmpi sge, %broadcast_in_dim3A_89, %ge3A_91 : vector<160x1xi32>
    %select_n3A_93 = arith.select %ge3A_92, %shift_right_arithmetic3A_82, %select_n3A_77 : vector<160x1xi1>, vector<160x1xi32>
    %select_n3A_94 = arith.select %ge3A_92, %select_n3A_78, %shift_right_arithmetic3A_82 : vector<160x1xi1>, vector<160x1xi32>
    %add3A_95 = arith.addi %select_n3A_93, %select_n3A_94 : vector<160x1xi32>
    %shift_right_arithmetic3A_96 = arith.constant 1 : i32
    %shift_right_arithmetic3A_97 = vector.broadcast %shift_right_arithmetic3A_96 : i32 to vector<160x1xi32>
    %shift_right_arithmetic3A_98 = arith.shrsi %add3A_95, %shift_right_arithmetic3A_97 : vector<160x1xi32>
    %bitcast_convert_type3A_99 = tpu.bitcast %shift_right_arithmetic3A_98 : vector<160x1xi32> -> vector<160x1xf32>
    %ge3A_100 = vector.broadcast %bitcast_convert_type3A_99 : vector<160x1xf32> to vector<160x2000xf32>
    %ge3A_101 = arith.cmpf oge, %add3A, %ge3A_100 : vector<160x2000xf32>
    %convert_element_type3A_102 = arith.extui %ge3A_101 : vector<160x2000xi1> to vector<160x2000xi32>
    %reduce_sum3A_103 = arith.constant dense<0> : vector<160xi32>
    %reduce_sum3A_104 = vector.multi_reduction <add>, %convert_element_type3A_102, %reduce_sum3A_103 [1] : vector<160x2000xi32> to vector<160xi32>
    %broadcast_in_dim3A_105 = vector.shape_cast %reduce_sum3A_104 : vector<160xi32> to vector<160x1xi32>
    %ge3A_106 = arith.constant 30 : i32
    %ge3A_107 = vector.broadcast %ge3A_106 : i32 to vector<160x1xi32>
    %ge3A_108 = arith.cmpi sge, %broadcast_in_dim3A_105, %ge3A_107 : vector<160x1xi32>
    %select_n3A_109 = arith.select %ge3A_108, %shift_right_arithmetic3A_98, %select_n3A_93 : vector<160x1xi1>, vector<160x1xi32>
    %select_n3A_110 = arith.select %ge3A_108, %select_n3A_94, %shift_right_arithmetic3A_98 : vector<160x1xi1>, vector<160x1xi32>
    %add3A_111 = arith.addi %select_n3A_109, %select_n3A_110 : vector<160x1xi32>
    %shift_right_arithmetic3A_112 = arith.constant 1 : i32
    %shift_right_arithmetic3A_113 = vector.broadcast %shift_right_arithmetic3A_112 : i32 to vector<160x1xi32>
    %shift_right_arithmetic3A_114 = arith.shrsi %add3A_111, %shift_right_arithmetic3A_113 : vector<160x1xi32>
    %bitcast_convert_type3A_115 = tpu.bitcast %shift_right_arithmetic3A_114 : vector<160x1xi32> -> vector<160x1xf32>
    %ge3A_116 = vector.broadcast %bitcast_convert_type3A_115 : vector<160x1xf32> to vector<160x2000xf32>
    %ge3A_117 = arith.cmpf oge, %add3A, %ge3A_116 : vector<160x2000xf32>
    %convert_element_type3A_118 = arith.extui %ge3A_117 : vector<160x2000xi1> to vector<160x2000xi32>
    %reduce_sum3A_119 = arith.constant dense<0> : vector<160xi32>
    %reduce_sum3A_120 = vector.multi_reduction <add>, %convert_element_type3A_118, %reduce_sum3A_119 [1] : vector<160x2000xi32> to vector<160xi32>
    %broadcast_in_dim3A_121 = vector.shape_cast %reduce_sum3A_120 : vector<160xi32> to vector<160x1xi32>
    %ge3A_122 = arith.constant 30 : i32
    %ge3A_123 = vector.broadcast %ge3A_122 : i32 to vector<160x1xi32>
    %ge3A_124 = arith.cmpi sge, %broadcast_in_dim3A_121, %ge3A_123 : vector<160x1xi32>
    %select_n3A_125 = arith.select %ge3A_124, %shift_right_arithmetic3A_114, %select_n3A_109 : vector<160x1xi1>, vector<160x1xi32>
    %select_n3A_126 = arith.select %ge3A_124, %select_n3A_110, %shift_right_arithmetic3A_114 : vector<160x1xi1>, vector<160x1xi32>
    %add3A_127 = arith.addi %select_n3A_125, %select_n3A_126 : vector<160x1xi32>
    %shift_right_arithmetic3A_128 = arith.constant 1 : i32
    %shift_right_arithmetic3A_129 = vector.broadcast %shift_right_arithmetic3A_128 : i32 to vector<160x1xi32>
    %shift_right_arithmetic3A_130 = arith.shrsi %add3A_127, %shift_right_arithmetic3A_129 : vector<160x1xi32>
    %bitcast_convert_type3A_131 = tpu.bitcast %shift_right_arithmetic3A_130 : vector<160x1xi32> -> vector<160x1xf32>
    %ge3A_132 = vector.broadcast %bitcast_convert_type3A_131 : vector<160x1xf32> to vector<160x2000xf32>
    %ge3A_133 = arith.cmpf oge, %add3A, %ge3A_132 : vector<160x2000xf32>
    %convert_element_type3A_134 = arith.extui %ge3A_133 : vector<160x2000xi1> to vector<160x2000xi32>
    %reduce_sum3A_135 = arith.constant dense<0> : vector<160xi32>
    %reduce_sum3A_136 = vector.multi_reduction <add>, %convert_element_type3A_134, %reduce_sum3A_135 [1] : vector<160x2000xi32> to vector<160xi32>
    %broadcast_in_dim3A_137 = vector.shape_cast %reduce_sum3A_136 : vector<160xi32> to vector<160x1xi32>
    %ge3A_138 = arith.constant 30 : i32
    %ge3A_139 = vector.broadcast %ge3A_138 : i32 to vector<160x1xi32>
    %ge3A_140 = arith.cmpi sge, %broadcast_in_dim3A_137, %ge3A_139 : vector<160x1xi32>
    %select_n3A_141 = arith.select %ge3A_140, %shift_right_arithmetic3A_130, %select_n3A_125 : vector<160x1xi1>, vector<160x1xi32>
    %select_n3A_142 = arith.select %ge3A_140, %select_n3A_126, %shift_right_arithmetic3A_130 : vector<160x1xi1>, vector<160x1xi32>
    %add3A_143 = arith.addi %select_n3A_141, %select_n3A_142 : vector<160x1xi32>
    %shift_right_arithmetic3A_144 = arith.constant 1 : i32
    %shift_right_arithmetic3A_145 = vector.broadcast %shift_right_arithmetic3A_144 : i32 to vector<160x1xi32>
    %shift_right_arithmetic3A_146 = arith.shrsi %add3A_143, %shift_right_arithmetic3A_145 : vector<160x1xi32>
    %bitcast_convert_type3A_147 = tpu.bitcast %shift_right_arithmetic3A_146 : vector<160x1xi32> -> vector<160x1xf32>
    %ge3A_148 = vector.broadcast %bitcast_convert_type3A_147 : vector<160x1xf32> to vector<160x2000xf32>
    %ge3A_149 = arith.cmpf oge, %add3A, %ge3A_148 : vector<160x2000xf32>
    %convert_element_type3A_150 = arith.extui %ge3A_149 : vector<160x2000xi1> to vector<160x2000xi32>
    %reduce_sum3A_151 = arith.constant dense<0> : vector<160xi32>
    %reduce_sum3A_152 = vector.multi_reduction <add>, %convert_element_type3A_150, %reduce_sum3A_151 [1] : vector<160x2000xi32> to vector<160xi32>
    %broadcast_in_dim3A_153 = vector.shape_cast %reduce_sum3A_152 : vector<160xi32> to vector<160x1xi32>
    %ge3A_154 = arith.constant 30 : i32
    %ge3A_155 = vector.broadcast %ge3A_154 : i32 to vector<160x1xi32>
    %ge3A_156 = arith.cmpi sge, %broadcast_in_dim3A_153, %ge3A_155 : vector<160x1xi32>
    %select_n3A_157 = arith.select %ge3A_156, %shift_right_arithmetic3A_146, %select_n3A_141 : vector<160x1xi1>, vector<160x1xi32>
    %select_n3A_158 = arith.select %ge3A_156, %select_n3A_142, %shift_right_arithmetic3A_146 : vector<160x1xi1>, vector<160x1xi32>
    %add3A_159 = arith.addi %select_n3A_157, %select_n3A_158 : vector<160x1xi32>
    %shift_right_arithmetic3A_160 = arith.constant 1 : i32
    %shift_right_arithmetic3A_161 = vector.broadcast %shift_right_arithmetic3A_160 : i32 to vector<160x1xi32>
    %shift_right_arithmetic3A_162 = arith.shrsi %add3A_159, %shift_right_arithmetic3A_161 : vector<160x1xi32>
    %bitcast_convert_type3A_163 = tpu.bitcast %shift_right_arithmetic3A_162 : vector<160x1xi32> -> vector<160x1xf32>
    %ge3A_164 = vector.broadcast %bitcast_convert_type3A_163 : vector<160x1xf32> to vector<160x2000xf32>
    %ge3A_165 = arith.cmpf oge, %add3A, %ge3A_164 : vector<160x2000xf32>
    %convert_element_type3A_166 = arith.extui %ge3A_165 : vector<160x2000xi1> to vector<160x2000xi32>
    %reduce_sum3A_167 = arith.constant dense<0> : vector<160xi32>
    %reduce_sum3A_168 = vector.multi_reduction <add>, %convert_element_type3A_166, %reduce_sum3A_167 [1] : vector<160x2000xi32> to vector<160xi32>
    %broadcast_in_dim3A_169 = vector.shape_cast %reduce_sum3A_168 : vector<160xi32> to vector<160x1xi32>
    %ge3A_170 = arith.constant 30 : i32
    %ge3A_171 = vector.broadcast %ge3A_170 : i32 to vector<160x1xi32>
    %ge3A_172 = arith.cmpi sge, %broadcast_in_dim3A_169, %ge3A_171 : vector<160x1xi32>
    %select_n3A_173 = arith.select %ge3A_172, %shift_right_arithmetic3A_162, %select_n3A_157 : vector<160x1xi1>, vector<160x1xi32>
    %select_n3A_174 = arith.select %ge3A_172, %select_n3A_158, %shift_right_arithmetic3A_162 : vector<160x1xi1>, vector<160x1xi32>
    %add3A_175 = arith.addi %select_n3A_173, %select_n3A_174 : vector<160x1xi32>
    %shift_right_arithmetic3A_176 = arith.constant 1 : i32
    %shift_right_arithmetic3A_177 = vector.broadcast %shift_right_arithmetic3A_176 : i32 to vector<160x1xi32>
    %shift_right_arithmetic3A_178 = arith.shrsi %add3A_175, %shift_right_arithmetic3A_177 : vector<160x1xi32>
    %bitcast_convert_type3A_179 = tpu.bitcast %shift_right_arithmetic3A_178 : vector<160x1xi32> -> vector<160x1xf32>
    %ge3A_180 = vector.broadcast %bitcast_convert_type3A_179 : vector<160x1xf32> to vector<160x2000xf32>
    %ge3A_181 = arith.cmpf oge, %add3A, %ge3A_180 : vector<160x2000xf32>
    %convert_element_type3A_182 = arith.extui %ge3A_181 : vector<160x2000xi1> to vector<160x2000xi32>
    %reduce_sum3A_183 = arith.constant dense<0> : vector<160xi32>
    %reduce_sum3A_184 = vector.multi_reduction <add>, %convert_element_type3A_182, %reduce_sum3A_183 [1] : vector<160x2000xi32> to vector<160xi32>
    %broadcast_in_dim3A_185 = vector.shape_cast %reduce_sum3A_184 : vector<160xi32> to vector<160x1xi32>
    %ge3A_186 = arith.constant 30 : i32
    %ge3A_187 = vector.broadcast %ge3A_186 : i32 to vector<160x1xi32>
    %ge3A_188 = arith.cmpi sge, %broadcast_in_dim3A_185, %ge3A_187 : vector<160x1xi32>
    %select_n3A_189 = arith.select %ge3A_188, %shift_right_arithmetic3A_178, %select_n3A_173 : vector<160x1xi1>, vector<160x1xi32>
    %select_n3A_190 = arith.select %ge3A_188, %select_n3A_174, %shift_right_arithmetic3A_178 : vector<160x1xi1>, vector<160x1xi32>
    %add3A_191 = arith.addi %select_n3A_189, %select_n3A_190 : vector<160x1xi32>
    %shift_right_arithmetic3A_192 = arith.constant 1 : i32
    %shift_right_arithmetic3A_193 = vector.broadcast %shift_right_arithmetic3A_192 : i32 to vector<160x1xi32>
    %shift_right_arithmetic3A_194 = arith.shrsi %add3A_191, %shift_right_arithmetic3A_193 : vector<160x1xi32>
    %bitcast_convert_type3A_195 = tpu.bitcast %shift_right_arithmetic3A_194 : vector<160x1xi32> -> vector<160x1xf32>
    %ge3A_196 = vector.broadcast %bitcast_convert_type3A_195 : vector<160x1xf32> to vector<160x2000xf32>
    %ge3A_197 = arith.cmpf oge, %add3A, %ge3A_196 : vector<160x2000xf32>
    %convert_element_type3A_198 = arith.extui %ge3A_197 : vector<160x2000xi1> to vector<160x2000xi32>
    %reduce_sum3A_199 = arith.constant dense<0> : vector<160xi32>
    %reduce_sum3A_200 = vector.multi_reduction <add>, %convert_element_type3A_198, %reduce_sum3A_199 [1] : vector<160x2000xi32> to vector<160xi32>
    %broadcast_in_dim3A_201 = vector.shape_cast %reduce_sum3A_200 : vector<160xi32> to vector<160x1xi32>
    %ge3A_202 = arith.constant 30 : i32
    %ge3A_203 = vector.broadcast %ge3A_202 : i32 to vector<160x1xi32>
    %ge3A_204 = arith.cmpi sge, %broadcast_in_dim3A_201, %ge3A_203 : vector<160x1xi32>
    %select_n3A_205 = arith.select %ge3A_204, %shift_right_arithmetic3A_194, %select_n3A_189 : vector<160x1xi1>, vector<160x1xi32>
    %select_n3A_206 = arith.select %ge3A_204, %select_n3A_190, %shift_right_arithmetic3A_194 : vector<160x1xi1>, vector<160x1xi32>
    %add3A_207 = arith.addi %select_n3A_205, %select_n3A_206 : vector<160x1xi32>
    %shift_right_arithmetic3A_208 = arith.constant 1 : i32
    %shift_right_arithmetic3A_209 = vector.broadcast %shift_right_arithmetic3A_208 : i32 to vector<160x1xi32>
    %shift_right_arithmetic3A_210 = arith.shrsi %add3A_207, %shift_right_arithmetic3A_209 : vector<160x1xi32>
    %bitcast_convert_type3A_211 = tpu.bitcast %shift_right_arithmetic3A_210 : vector<160x1xi32> -> vector<160x1xf32>
    %ge3A_212 = vector.broadcast %bitcast_convert_type3A_211 : vector<160x1xf32> to vector<160x2000xf32>
    %ge3A_213 = arith.cmpf oge, %add3A, %ge3A_212 : vector<160x2000xf32>
    %convert_element_type3A_214 = arith.extui %ge3A_213 : vector<160x2000xi1> to vector<160x2000xi32>
    %reduce_sum3A_215 = arith.constant dense<0> : vector<160xi32>
    %reduce_sum3A_216 = vector.multi_reduction <add>, %convert_element_type3A_214, %reduce_sum3A_215 [1] : vector<160x2000xi32> to vector<160xi32>
    %broadcast_in_dim3A_217 = vector.shape_cast %reduce_sum3A_216 : vector<160xi32> to vector<160x1xi32>
    %ge3A_218 = arith.constant 30 : i32
    %ge3A_219 = vector.broadcast %ge3A_218 : i32 to vector<160x1xi32>
    %ge3A_220 = arith.cmpi sge, %broadcast_in_dim3A_217, %ge3A_219 : vector<160x1xi32>
    %select_n3A_221 = arith.select %ge3A_220, %shift_right_arithmetic3A_210, %select_n3A_205 : vector<160x1xi1>, vector<160x1xi32>
    %select_n3A_222 = arith.select %ge3A_220, %select_n3A_206, %shift_right_arithmetic3A_210 : vector<160x1xi1>, vector<160x1xi32>
    %add3A_223 = arith.addi %select_n3A_221, %select_n3A_222 : vector<160x1xi32>
    %shift_right_arithmetic3A_224 = arith.constant 1 : i32
    %shift_right_arithmetic3A_225 = vector.broadcast %shift_right_arithmetic3A_224 : i32 to vector<160x1xi32>
    %shift_right_arithmetic3A_226 = arith.shrsi %add3A_223, %shift_right_arithmetic3A_225 : vector<160x1xi32>
    %bitcast_convert_type3A_227 = tpu.bitcast %shift_right_arithmetic3A_226 : vector<160x1xi32> -> vector<160x1xf32>
    %ge3A_228 = vector.broadcast %bitcast_convert_type3A_227 : vector<160x1xf32> to vector<160x2000xf32>
    %ge3A_229 = arith.cmpf oge, %add3A, %ge3A_228 : vector<160x2000xf32>
    %convert_element_type3A_230 = arith.extui %ge3A_229 : vector<160x2000xi1> to vector<160x2000xi32>
    %reduce_sum3A_231 = arith.constant dense<0> : vector<160xi32>
    %reduce_sum3A_232 = vector.multi_reduction <add>, %convert_element_type3A_230, %reduce_sum3A_231 [1] : vector<160x2000xi32> to vector<160xi32>
    %broadcast_in_dim3A_233 = vector.shape_cast %reduce_sum3A_232 : vector<160xi32> to vector<160x1xi32>
    %ge3A_234 = arith.constant 30 : i32
    %ge3A_235 = vector.broadcast %ge3A_234 : i32 to vector<160x1xi32>
    %ge3A_236 = arith.cmpi sge, %broadcast_in_dim3A_233, %ge3A_235 : vector<160x1xi32>
    %select_n3A_237 = arith.select %ge3A_236, %shift_right_arithmetic3A_226, %select_n3A_221 : vector<160x1xi1>, vector<160x1xi32>
    %select_n3A_238 = arith.select %ge3A_236, %select_n3A_222, %shift_right_arithmetic3A_226 : vector<160x1xi1>, vector<160x1xi32>
    %add3A_239 = arith.addi %select_n3A_237, %select_n3A_238 : vector<160x1xi32>
    %shift_right_arithmetic3A_240 = arith.constant 1 : i32
    %shift_right_arithmetic3A_241 = vector.broadcast %shift_right_arithmetic3A_240 : i32 to vector<160x1xi32>
    %shift_right_arithmetic3A_242 = arith.shrsi %add3A_239, %shift_right_arithmetic3A_241 : vector<160x1xi32>
    %bitcast_convert_type3A_243 = tpu.bitcast %shift_right_arithmetic3A_242 : vector<160x1xi32> -> vector<160x1xf32>
    %ge3A_244 = vector.broadcast %bitcast_convert_type3A_243 : vector<160x1xf32> to vector<160x2000xf32>
    %ge3A_245 = arith.cmpf oge, %add3A, %ge3A_244 : vector<160x2000xf32>
    %convert_element_type3A_246 = arith.extui %ge3A_245 : vector<160x2000xi1> to vector<160x2000xi32>
    %reduce_sum3A_247 = arith.constant dense<0> : vector<160xi32>
    %reduce_sum3A_248 = vector.multi_reduction <add>, %convert_element_type3A_246, %reduce_sum3A_247 [1] : vector<160x2000xi32> to vector<160xi32>
    %broadcast_in_dim3A_249 = vector.shape_cast %reduce_sum3A_248 : vector<160xi32> to vector<160x1xi32>
    %ge3A_250 = arith.constant 30 : i32
    %ge3A_251 = vector.broadcast %ge3A_250 : i32 to vector<160x1xi32>
    %ge3A_252 = arith.cmpi sge, %broadcast_in_dim3A_249, %ge3A_251 : vector<160x1xi32>
    %select_n3A_253 = arith.select %ge3A_252, %shift_right_arithmetic3A_242, %select_n3A_237 : vector<160x1xi1>, vector<160x1xi32>
    %select_n3A_254 = arith.select %ge3A_252, %select_n3A_238, %shift_right_arithmetic3A_242 : vector<160x1xi1>, vector<160x1xi32>
    %add3A_255 = arith.addi %select_n3A_253, %select_n3A_254 : vector<160x1xi32>
    %shift_right_arithmetic3A_256 = arith.constant 1 : i32
    %shift_right_arithmetic3A_257 = vector.broadcast %shift_right_arithmetic3A_256 : i32 to vector<160x1xi32>
    %shift_right_arithmetic3A_258 = arith.shrsi %add3A_255, %shift_right_arithmetic3A_257 : vector<160x1xi32>
    %bitcast_convert_type3A_259 = tpu.bitcast %shift_right_arithmetic3A_258 : vector<160x1xi32> -> vector<160x1xf32>
    %ge3A_260 = vector.broadcast %bitcast_convert_type3A_259 : vector<160x1xf32> to vector<160x2000xf32>
    %ge3A_261 = arith.cmpf oge, %add3A, %ge3A_260 : vector<160x2000xf32>
    %convert_element_type3A_262 = arith.extui %ge3A_261 : vector<160x2000xi1> to vector<160x2000xi32>
    %reduce_sum3A_263 = arith.constant dense<0> : vector<160xi32>
    %reduce_sum3A_264 = vector.multi_reduction <add>, %convert_element_type3A_262, %reduce_sum3A_263 [1] : vector<160x2000xi32> to vector<160xi32>
    %broadcast_in_dim3A_265 = vector.shape_cast %reduce_sum3A_264 : vector<160xi32> to vector<160x1xi32>
    %ge3A_266 = arith.constant 30 : i32
    %ge3A_267 = vector.broadcast %ge3A_266 : i32 to vector<160x1xi32>
    %ge3A_268 = arith.cmpi sge, %broadcast_in_dim3A_265, %ge3A_267 : vector<160x1xi32>
    %select_n3A_269 = arith.select %ge3A_268, %shift_right_arithmetic3A_258, %select_n3A_253 : vector<160x1xi1>, vector<160x1xi32>
    %select_n3A_270 = arith.select %ge3A_268, %select_n3A_254, %shift_right_arithmetic3A_258 : vector<160x1xi1>, vector<160x1xi32>
    %add3A_271 = arith.addi %select_n3A_269, %select_n3A_270 : vector<160x1xi32>
    %shift_right_arithmetic3A_272 = arith.constant 1 : i32
    %shift_right_arithmetic3A_273 = vector.broadcast %shift_right_arithmetic3A_272 : i32 to vector<160x1xi32>
    %shift_right_arithmetic3A_274 = arith.shrsi %add3A_271, %shift_right_arithmetic3A_273 : vector<160x1xi32>
    %bitcast_convert_type3A_275 = tpu.bitcast %shift_right_arithmetic3A_274 : vector<160x1xi32> -> vector<160x1xf32>
    %ge3A_276 = vector.broadcast %bitcast_convert_type3A_275 : vector<160x1xf32> to vector<160x2000xf32>
    %ge3A_277 = arith.cmpf oge, %add3A, %ge3A_276 : vector<160x2000xf32>
    %convert_element_type3A_278 = arith.extui %ge3A_277 : vector<160x2000xi1> to vector<160x2000xi32>
    %reduce_sum3A_279 = arith.constant dense<0> : vector<160xi32>
    %reduce_sum3A_280 = vector.multi_reduction <add>, %convert_element_type3A_278, %reduce_sum3A_279 [1] : vector<160x2000xi32> to vector<160xi32>
    %broadcast_in_dim3A_281 = vector.shape_cast %reduce_sum3A_280 : vector<160xi32> to vector<160x1xi32>
    %ge3A_282 = arith.constant 30 : i32
    %ge3A_283 = vector.broadcast %ge3A_282 : i32 to vector<160x1xi32>
    %ge3A_284 = arith.cmpi sge, %broadcast_in_dim3A_281, %ge3A_283 : vector<160x1xi32>
    %select_n3A_285 = arith.select %ge3A_284, %shift_right_arithmetic3A_274, %select_n3A_269 : vector<160x1xi1>, vector<160x1xi32>
    %select_n3A_286 = arith.select %ge3A_284, %select_n3A_270, %shift_right_arithmetic3A_274 : vector<160x1xi1>, vector<160x1xi32>
    %add3A_287 = arith.addi %select_n3A_285, %select_n3A_286 : vector<160x1xi32>
    %shift_right_arithmetic3A_288 = arith.constant 1 : i32
    %shift_right_arithmetic3A_289 = vector.broadcast %shift_right_arithmetic3A_288 : i32 to vector<160x1xi32>
    %shift_right_arithmetic3A_290 = arith.shrsi %add3A_287, %shift_right_arithmetic3A_289 : vector<160x1xi32>
    %bitcast_convert_type3A_291 = tpu.bitcast %shift_right_arithmetic3A_290 : vector<160x1xi32> -> vector<160x1xf32>
    %ge3A_292 = vector.broadcast %bitcast_convert_type3A_291 : vector<160x1xf32> to vector<160x2000xf32>
    %ge3A_293 = arith.cmpf oge, %add3A, %ge3A_292 : vector<160x2000xf32>
    %convert_element_type3A_294 = arith.extui %ge3A_293 : vector<160x2000xi1> to vector<160x2000xi32>
    %reduce_sum3A_295 = arith.constant dense<0> : vector<160xi32>
    %reduce_sum3A_296 = vector.multi_reduction <add>, %convert_element_type3A_294, %reduce_sum3A_295 [1] : vector<160x2000xi32> to vector<160xi32>
    %broadcast_in_dim3A_297 = vector.shape_cast %reduce_sum3A_296 : vector<160xi32> to vector<160x1xi32>
    %ge3A_298 = arith.constant 30 : i32
    %ge3A_299 = vector.broadcast %ge3A_298 : i32 to vector<160x1xi32>
    %ge3A_300 = arith.cmpi sge, %broadcast_in_dim3A_297, %ge3A_299 : vector<160x1xi32>
    %select_n3A_301 = arith.select %ge3A_300, %shift_right_arithmetic3A_290, %select_n3A_285 : vector<160x1xi1>, vector<160x1xi32>
    %select_n3A_302 = arith.select %ge3A_300, %select_n3A_286, %shift_right_arithmetic3A_290 : vector<160x1xi1>, vector<160x1xi32>
    %sub3A = arith.subi %select_n3A_302, %select_n3A_301 : vector<160x1xi32>
    %reduce_max3A_303 = vector.shape_cast %sub3A : vector<160x1xi32> to vector<1x160x1xi32>
    %reduce_max3A_304 = arith.constant dense<-2147483648> : vector<1xi32>
    %reduce_max3A_305 = vector.multi_reduction <maxsi>, %reduce_max3A_303, %reduce_max3A_304 [1, 2] : vector<1x160x1xi32> to vector<1xi32>
    %reduce_max3A_306 = vector.shape_cast %reduce_max3A_305 : vector<1xi32> to vector<1x1x1xi32>
    %reduce_max3A_307 = vector.extract %reduce_max3A_306[0, 0, 0] : i32 from vector<1x1x1xi32>
    %le3A = arith.constant 1 : i32
    %le3A_308 = arith.cmpi sle, %reduce_max3A_307, %le3A : i32
    %convert_element_type3A_309 = arith.extui %le3A_308 : i1 to i32
    %cond3A = arith.constant 0 : i32
    %cond3A_310 = arith.cmpi ne, %convert_element_type3A_309, %cond3A : i32
    %cond3A_311 = scf.if %cond3A_310 -> (vector<160x1xi32>) {
      scf.yield %select_n3A_301 : vector<160x1xi32>
    } else {
      %scan3A = arith.constant 0 : i32
      %scan3A_342 = arith.constant 13 : i32
      %scan3A_343 = arith.addi %scan3A, %scan3A_342 : i32
      %scan3A_344 = arith.constant 1 : i32
      %scan3A_345:2 = scf.for %scan3A_346 = %scan3A to %scan3A_343 step %scan3A_344 iter_args(%scan3A_347 = %select_n3A_301, %scan3A_348 = %select_n3A_302) -> (vector<160x1xi32>, vector<160x1xi32>)  : i32 {
        %add3A_349 = arith.addi %scan3A_347, %scan3A_348 : vector<160x1xi32>
        %shift_right_arithmetic3A_350 = arith.constant 1 : i32
        %shift_right_arithmetic3A_351 = vector.broadcast %shift_right_arithmetic3A_350 : i32 to vector<160x1xi32>
        %shift_right_arithmetic3A_352 = arith.shrsi %add3A_349, %shift_right_arithmetic3A_351 : vector<160x1xi32>
        %bitcast_convert_type3A_353 = tpu.bitcast %shift_right_arithmetic3A_352 : vector<160x1xi32> -> vector<160x1xf32>
        %ge3A_354 = vector.broadcast %bitcast_convert_type3A_353 : vector<160x1xf32> to vector<160x2000xf32>
        %ge3A_355 = arith.cmpf oge, %add3A, %ge3A_354 : vector<160x2000xf32>
        %convert_element_type3A_356 = arith.extui %ge3A_355 : vector<160x2000xi1> to vector<160x2000xi32>
        %reduce_sum3A_357 = arith.constant dense<0> : vector<160xi32>
        %reduce_sum3A_358 = vector.multi_reduction <add>, %convert_element_type3A_356, %reduce_sum3A_357 [1] : vector<160x2000xi32> to vector<160xi32>
        %broadcast_in_dim3A_359 = vector.shape_cast %reduce_sum3A_358 : vector<160xi32> to vector<160x1xi32>
        %ge3A_360 = arith.constant 30 : i32
        %ge3A_361 = vector.broadcast %ge3A_360 : i32 to vector<160x1xi32>
        %ge3A_362 = arith.cmpi sge, %broadcast_in_dim3A_359, %ge3A_361 : vector<160x1xi32>
        %select_n3A_363 = arith.select %ge3A_362, %shift_right_arithmetic3A_352, %scan3A_347 : vector<160x1xi1>, vector<160x1xi32>
        %select_n3A_364 = arith.select %ge3A_362, %scan3A_348, %shift_right_arithmetic3A_352 : vector<160x1xi1>, vector<160x1xi32>
        scf.yield %select_n3A_363, %select_n3A_364 : vector<160x1xi32>, vector<160x1xi32>
      }
      scf.yield %scan3A_345#0 : vector<160x1xi32>
    }
    %bitcast_convert_type3A_312 = tpu.bitcast %cond3A_311 : vector<160x1xi32> -> vector<160x1xf32>
    %ge3A_313 = vector.broadcast %bitcast_convert_type3A_312 : vector<160x1xf32> to vector<160x2000xf32>
    %ge3A_314 = arith.cmpf oge, %add3A, %ge3A_313 : vector<160x2000xf32>
    %bitcast_convert_type3A_315 = tpu.bitcast %cond3A_311 : vector<160x1xi32> -> vector<160x1xf32>
    %ge3A_316 = vector.broadcast %bitcast_convert_type3A_315 : vector<160x1xf32> to vector<160x2000xf32>
    %ge3A_317 = arith.cmpf oge, %add3A, %ge3A_316 : vector<160x2000xf32>
    %convert_element_type3A_318 = arith.extui %ge3A_317 : vector<160x2000xi1> to vector<160x2000xi32>
    %reduce_sum3A_319 = arith.constant dense<0> : vector<160xi32>
    %reduce_sum3A_320 = vector.multi_reduction <add>, %convert_element_type3A_318, %reduce_sum3A_319 [1] : vector<160x2000xi32> to vector<160xi32>
    %broadcast_in_dim3A_321 = vector.shape_cast %reduce_sum3A_320 : vector<160xi32> to vector<160x1xi32>
    %eq3A = arith.constant 30 : i32
    %eq3A_322 = vector.broadcast %eq3A : i32 to vector<160x1xi32>
    %eq3A_323 = arith.cmpi eq, %broadcast_in_dim3A_321, %eq3A_322 : vector<160x1xi32>
    %reduce_and3A = arith.constant 1.000000e+00 : f32
    %reduce_and3A_324 = arith.constant 0.000000e+00 : f32
    %reduce_and3A_325 = vector.broadcast %reduce_and3A : f32 to vector<160x1xf32>
    %reduce_and3A_326 = vector.broadcast %reduce_and3A_324 : f32 to vector<160x1xf32>
    %reduce_and3A_327 = arith.select %eq3A_323, %reduce_and3A_325, %reduce_and3A_326 : vector<160x1xi1>, vector<160x1xf32>
    %reduce_and3A_328 = vector.shape_cast %reduce_and3A_327 : vector<160x1xf32> to vector<1x160x1xf32>
    %reduce_and3A_329 = arith.constant dense<0x7F800000> : vector<1xf32>
    %reduce_and3A_330 = vector.multi_reduction <minimumf>, %reduce_and3A_328, %reduce_and3A_329 [1, 2] : vector<1x160x1xf32> to vector<1xf32>
    %reduce_and3A_331 = vector.shape_cast %reduce_and3A_330 : vector<1xf32> to vector<1x1x1xf32>
    %reduce_and3A_332 = vector.extract %reduce_and3A_331[0, 0, 0] : f32 from vector<1x1x1xf32>
    %reduce_and3A_333 = arith.constant 0.000000e+00 : f32
    %reduce_and3A_334 = arith.cmpf ogt, %reduce_and3A_332, %reduce_and3A_333 : f32
    %convert_element_type3A_335 = arith.extui %reduce_and3A_334 : i1 to i32
    %cond3A_336 = arith.constant 0 : i32
    %cond3A_337 = arith.cmpi ne, %convert_element_type3A_335, %cond3A_336 : i32
    scf.if %cond3A_337 {
      %jit3A_342 = arith.constant 0.000000e+00 : f32
      %broadcast_in_dim3A_343 = vector.broadcast %jit3A_342 : f32 to vector<160x2000xf32>
      %select_n3A_344 = arith.select %ge3A_314, %max3A_10, %broadcast_in_dim3A_343 : vector<160x2000xi1>, vector<160x2000xf32>
      %slice3A = vector.extract_strided_slice %select_n3A_344 {offsets = [0, 0], sizes = [40, 2000], strides = [1, 1]} : vector<160x2000xf32> to vector<40x2000xf32>
      %swap3A = arith.constant 0 : index
      %swap3A_345 = arith.constant 0 : index
      %swap3A_346 = vector.load %arg4[%swap3A, %swap3A_345] : memref<40x2000xf32, #tpu.memory_space<vmem>>, vector<40x2000xf32>
      tpu.vector_store %arg4[%swap3A, %swap3A_345], %slice3A {strides = array<i32>} : memref<40x2000xf32, #tpu.memory_space<vmem>>, vector<40x2000xf32>,
      %slice3A_347 = vector.extract_strided_slice %select_n3A_344 {offsets = [40, 0], sizes = [40, 2000], strides = [1, 1]} : vector<160x2000xf32> to vector<40x2000xf32>
      %swap3A_348 = arith.constant 0 : index
      %swap3A_349 = arith.constant 0 : index
      %swap3A_350 = vector.load %arg5[%swap3A_348, %swap3A_349] : memref<40x2000xf32, #tpu.memory_space<vmem>>, vector<40x2000xf32>
      tpu.vector_store %arg5[%swap3A_348, %swap3A_349], %slice3A_347 {strides = array<i32>} : memref<40x2000xf32, #tpu.memory_space<vmem>>, vector<40x2000xf32>,
      %slice3A_351 = vector.extract_strided_slice %select_n3A_344 {offsets = [80, 0], sizes = [40, 2000], strides = [1, 1]} : vector<160x2000xf32> to vector<40x2000xf32>
      %swap3A_352 = arith.constant 0 : index
      %swap3A_353 = arith.constant 0 : index
      %swap3A_354 = vector.load %arg6[%swap3A_352, %swap3A_353] : memref<40x2000xf32, #tpu.memory_space<vmem>>, vector<40x2000xf32>
      tpu.vector_store %arg6[%swap3A_352, %swap3A_353], %slice3A_351 {strides = array<i32>} : memref<40x2000xf32, #tpu.memory_space<vmem>>, vector<40x2000xf32>,
      %slice3A_355 = vector.extract_strided_slice %select_n3A_344 {offsets = [120, 0], sizes = [40, 2000], strides = [1, 1]} : vector<160x2000xf32> to vector<40x2000xf32>
      %swap3A_356 = arith.constant 0 : index
      %swap3A_357 = arith.constant 0 : index
      %swap3A_358 = vector.load %arg7[%swap3A_356, %swap3A_357] : memref<40x2000xf32, #tpu.memory_space<vmem>>, vector<40x2000xf32>
      tpu.vector_store %arg7[%swap3A_356, %swap3A_357], %slice3A_355 {strides = array<i32>} : memref<40x2000xf32, #tpu.memory_space<vmem>>, vector<40x2000xf32>,
    } else {
    }
    %not3A = arith.constant true
    %not3A_338 = arith.xori %reduce_and3A_334, %not3A : i1
    %convert_element_type3A_339 = arith.extui %not3A_338 : i1 to i32
    %cond3A_340 = arith.constant 0 : i32
    %cond3A_341 = arith.cmpi ne, %convert_element_type3A_339, %cond3A_340 : i32
    scf.if %cond3A_341 {
      %gt3A = vector.broadcast %bitcast_convert_type3A_312 : vector<160x1xf32> to vector<160x2000xf32>
      %gt3A_342 = arith.cmpf ogt, %add3A, %gt3A : vector<160x2000xf32>
      %convert_element_type3A_343 = arith.extui %gt3A_342 : vector<160x2000xi1> to vector<160x2000xi32>
      %reduce_sum3A_344 = arith.constant dense<0> : vector<160xi32>
      %reduce_sum3A_345 = vector.multi_reduction <add>, %convert_element_type3A_343, %reduce_sum3A_344 [1] : vector<160x2000xi32> to vector<160xi32>
      %broadcast_in_dim3A_346 = vector.shape_cast %reduce_sum3A_345 : vector<160xi32> to vector<160x1xi32>
      %sub3A_347 = arith.constant 30 : i32
      %sub3A_348 = vector.broadcast %sub3A_347 : i32 to vector<160x1xi32>
      %sub3A_349 = arith.subi %sub3A_348, %broadcast_in_dim3A_346 : vector<160x1xi32>
      %eq3A_350 = vector.broadcast %bitcast_convert_type3A_312 : vector<160x1xf32> to vector<160x2000xf32>
      %eq3A_351 = arith.cmpf oeq, %add3A, %eq3A_350 : vector<160x2000xf32>
      %convert_element_type3A_352 = arith.extui %eq3A_351 : vector<160x2000xi1> to vector<160x2000xi32>
      %broadcast_in_dim3A_353 = arith.constant 0 : i32
      %broadcast_in_dim3A_354 = vector.broadcast %broadcast_in_dim3A_353 : i32 to vector<160x1xi32>
      %slice3A = vector.extract_strided_slice %convert_element_type3A_352 {offsets = [0, 0], sizes = [160, 1999], strides = [1, 1]} : vector<160x2000xi32> to vector<160x1999xi32>
      %concatenate3A = tpu.concatenate %broadcast_in_dim3A_354, %slice3A in 1 : vector<160x1xi32>, vector<160x1999xi32> -> vector<160x2000xi32>
      %add3A_355 = arith.addi %convert_element_type3A_352, %concatenate3A : vector<160x2000xi32>
      %broadcast_in_dim3A_356 = arith.constant 0 : i32
      %broadcast_in_dim3A_357 = vector.broadcast %broadcast_in_dim3A_356 : i32 to vector<160x2xi32>
      %slice3A_358 = vector.extract_strided_slice %add3A_355 {offsets = [0, 0], sizes = [160, 1998], strides = [1, 1]} : vector<160x2000xi32> to vector<160x1998xi32>
      %concatenate3A_359 = tpu.concatenate %broadcast_in_dim3A_357, %slice3A_358 in 1 : vector<160x2xi32>, vector<160x1998xi32> -> vector<160x2000xi32>
      %add3A_360 = arith.addi %add3A_355, %concatenate3A_359 : vector<160x2000xi32>
      %broadcast_in_dim3A_361 = arith.constant 0 : i32
      %broadcast_in_dim3A_362 = vector.broadcast %broadcast_in_dim3A_361 : i32 to vector<160x4xi32>
      %slice3A_363 = vector.extract_strided_slice %add3A_360 {offsets = [0, 0], sizes = [160, 1996], strides = [1, 1]} : vector<160x2000xi32> to vector<160x1996xi32>
      %concatenate3A_364 = tpu.concatenate %broadcast_in_dim3A_362, %slice3A_363 in 1 : vector<160x4xi32>, vector<160x1996xi32> -> vector<160x2000xi32>
      %add3A_365 = arith.addi %add3A_360, %concatenate3A_364 : vector<160x2000xi32>
      %broadcast_in_dim3A_366 = arith.constant 0 : i32
      %broadcast_in_dim3A_367 = vector.broadcast %broadcast_in_dim3A_366 : i32 to vector<160x8xi32>
      %slice3A_368 = vector.extract_strided_slice %add3A_365 {offsets = [0, 0], sizes = [160, 1992], strides = [1, 1]} : vector<160x2000xi32> to vector<160x1992xi32>
      %concatenate3A_369 = tpu.concatenate %broadcast_in_dim3A_367, %slice3A_368 in 1 : vector<160x8xi32>, vector<160x1992xi32> -> vector<160x2000xi32>
      %add3A_370 = arith.addi %add3A_365, %concatenate3A_369 : vector<160x2000xi32>
      %broadcast_in_dim3A_371 = arith.constant 0 : i32
      %broadcast_in_dim3A_372 = vector.broadcast %broadcast_in_dim3A_371 : i32 to vector<160x16xi32>
      %slice3A_373 = vector.extract_strided_slice %add3A_370 {offsets = [0, 0], sizes = [160, 1984], strides = [1, 1]} : vector<160x2000xi32> to vector<160x1984xi32>
      %concatenate3A_374 = tpu.concatenate %broadcast_in_dim3A_372, %slice3A_373 in 1 : vector<160x16xi32>, vector<160x1984xi32> -> vector<160x2000xi32>
      %add3A_375 = arith.addi %add3A_370, %concatenate3A_374 : vector<160x2000xi32>
      %broadcast_in_dim3A_376 = arith.constant 0 : i32
      %broadcast_in_dim3A_377 = vector.broadcast %broadcast_in_dim3A_376 : i32 to vector<160x32xi32>
      %slice3A_378 = vector.extract_strided_slice %add3A_375 {offsets = [0, 0], sizes = [160, 1968], strides = [1, 1]} : vector<160x2000xi32> to vector<160x1968xi32>
      %concatenate3A_379 = tpu.concatenate %broadcast_in_dim3A_377, %slice3A_378 in 1 : vector<160x32xi32>, vector<160x1968xi32> -> vector<160x2000xi32>
      %add3A_380 = arith.addi %add3A_375, %concatenate3A_379 : vector<160x2000xi32>
      %broadcast_in_dim3A_381 = arith.constant 0 : i32
      %broadcast_in_dim3A_382 = vector.broadcast %broadcast_in_dim3A_381 : i32 to vector<160x64xi32>
      %slice3A_383 = vector.extract_strided_slice %add3A_380 {offsets = [0, 0], sizes = [160, 1936], strides = [1, 1]} : vector<160x2000xi32> to vector<160x1936xi32>
      %concatenate3A_384 = tpu.concatenate %broadcast_in_dim3A_382, %slice3A_383 in 1 : vector<160x64xi32>, vector<160x1936xi32> -> vector<160x2000xi32>
      %add3A_385 = arith.addi %add3A_380, %concatenate3A_384 : vector<160x2000xi32>
      %broadcast_in_dim3A_386 = arith.constant 0 : i32
      %broadcast_in_dim3A_387 = vector.broadcast %broadcast_in_dim3A_386 : i32 to vector<160x128xi32>
      %slice3A_388 = vector.extract_strided_slice %add3A_385 {offsets = [0, 0], sizes = [160, 1872], strides = [1, 1]} : vector<160x2000xi32> to vector<160x1872xi32>
      %concatenate3A_389 = tpu.concatenate %broadcast_in_dim3A_387, %slice3A_388 in 1 : vector<160x128xi32>, vector<160x1872xi32> -> vector<160x2000xi32>
      %add3A_390 = arith.addi %add3A_385, %concatenate3A_389 : vector<160x2000xi32>
      %broadcast_in_dim3A_391 = arith.constant 0 : i32
      %broadcast_in_dim3A_392 = vector.broadcast %broadcast_in_dim3A_391 : i32 to vector<160x256xi32>
      %slice3A_393 = vector.extract_strided_slice %add3A_390 {offsets = [0, 0], sizes = [160, 1744], strides = [1, 1]} : vector<160x2000xi32> to vector<160x1744xi32>
      %concatenate3A_394 = tpu.concatenate %broadcast_in_dim3A_392, %slice3A_393 in 1 : vector<160x256xi32>, vector<160x1744xi32> -> vector<160x2000xi32>
      %add3A_395 = arith.addi %add3A_390, %concatenate3A_394 : vector<160x2000xi32>
      %broadcast_in_dim3A_396 = arith.constant 0 : i32
      %broadcast_in_dim3A_397 = vector.broadcast %broadcast_in_dim3A_396 : i32 to vector<160x512xi32>
      %slice3A_398 = vector.extract_strided_slice %add3A_395 {offsets = [0, 0], sizes = [160, 1488], strides = [1, 1]} : vector<160x2000xi32> to vector<160x1488xi32>
      %concatenate3A_399 = tpu.concatenate %broadcast_in_dim3A_397, %slice3A_398 in 1 : vector<160x512xi32>, vector<160x1488xi32> -> vector<160x2000xi32>
      %add3A_400 = arith.addi %add3A_395, %concatenate3A_399 : vector<160x2000xi32>
      %broadcast_in_dim3A_401 = arith.constant 0 : i32
      %broadcast_in_dim3A_402 = vector.broadcast %broadcast_in_dim3A_401 : i32 to vector<160x1024xi32>
      %slice3A_403 = vector.extract_strided_slice %add3A_400 {offsets = [0, 0], sizes = [160, 976], strides = [1, 1]} : vector<160x2000xi32> to vector<160x976xi32>
      %concatenate3A_404 = tpu.concatenate %broadcast_in_dim3A_402, %slice3A_403 in 1 : vector<160x1024xi32>, vector<160x976xi32> -> vector<160x2000xi32>
      %add3A_405 = arith.addi %add3A_400, %concatenate3A_404 : vector<160x2000xi32>
      %le3A_406 = vector.broadcast %sub3A_349 : vector<160x1xi32> to vector<160x2000xi32>
      %le3A_407 = arith.cmpi sle, %add3A_405, %le3A_406 : vector<160x2000xi32>
      %and3A = arith.andi %eq3A_351, %le3A_407 : vector<160x2000xi1>
      %or3A = arith.ori %gt3A_342, %and3A : vector<160x2000xi1>
      %jit3A_408 = arith.constant 0.000000e+00 : f32
      %broadcast_in_dim3A_409 = vector.broadcast %jit3A_408 : f32 to vector<160x2000xf32>
      %select_n3A_410 = arith.select %or3A, %max3A_10, %broadcast_in_dim3A_409 : vector<160x2000xi1>, vector<160x2000xf32>
      %slice3A_411 = vector.extract_strided_slice %select_n3A_410 {offsets = [0, 0], sizes = [40, 2000], strides = [1, 1]} : vector<160x2000xf32> to vector<40x2000xf32>
      %swap3A = arith.constant 0 : index
      %swap3A_412 = arith.constant 0 : index
      %swap3A_413 = vector.load %arg4[%swap3A, %swap3A_412] : memref<40x2000xf32, #tpu.memory_space<vmem>>, vector<40x2000xf32>
      tpu.vector_store %arg4[%swap3A, %swap3A_412], %slice3A_411 {strides = array<i32>} : memref<40x2000xf32, #tpu.memory_space<vmem>>, vector<40x2000xf32>,
      %slice3A_414 = vector.extract_strided_slice %select_n3A_410 {offsets = [40, 0], sizes = [40, 2000], strides = [1, 1]} : vector<160x2000xf32> to vector<40x2000xf32>
      %swap3A_415 = arith.constant 0 : index
      %swap3A_416 = arith.constant 0 : index
      %swap3A_417 = vector.load %arg5[%swap3A_415, %swap3A_416] : memref<40x2000xf32, #tpu.memory_space<vmem>>, vector<40x2000xf32>
      tpu.vector_store %arg5[%swap3A_415, %swap3A_416], %slice3A_414 {strides = array<i32>} : memref<40x2000xf32, #tpu.memory_space<vmem>>, vector<40x2000xf32>,
      %slice3A_418 = vector.extract_strided_slice %select_n3A_410 {offsets = [80, 0], sizes = [40, 2000], strides = [1, 1]} : vector<160x2000xf32> to vector<40x2000xf32>
      %swap3A_419 = arith.constant 0 : index
      %swap3A_420 = arith.constant 0 : index
      %swap3A_421 = vector.load %arg6[%swap3A_419, %swap3A_420] : memref<40x2000xf32, #tpu.memory_space<vmem>>, vector<40x2000xf32>
      tpu.vector_store %arg6[%swap3A_419, %swap3A_420], %slice3A_418 {strides = array<i32>} : memref<40x2000xf32, #tpu.memory_space<vmem>>, vector<40x2000xf32>,
      %slice3A_422 = vector.extract_strided_slice %select_n3A_410 {offsets = [120, 0], sizes = [40, 2000], strides = [1, 1]} : vector<160x2000xf32> to vector<40x2000xf32>
      %swap3A_423 = arith.constant 0 : index
      %swap3A_424 = arith.constant 0 : index
      %swap3A_425 = vector.load %arg7[%swap3A_423, %swap3A_424] : memref<40x2000xf32, #tpu.memory_space<vmem>>, vector<40x2000xf32>
      tpu.vector_store %arg7[%swap3A_423, %swap3A_424], %slice3A_422 {strides = array<i32>} : memref<40x2000xf32, #tpu.memory_space<vmem>>, vector<40x2000xf32>,
    } else {
    }
    return
  }
  func.func @transform_0(%arg0: i32) -> (i32, i32) {
    %c0_i32 = arith.constant 0 : i32
    %c0_i32_0 = arith.constant 0 : i32
    %c0_i32_1 = arith.constant 0 : i32
    return %c0_i32, %c0_i32_0 : i32, i32
  }
  func.func @transform_1(%arg0: i32) -> (i32, i32, i32) {
    %c0_i32 = arith.constant 0 : i32
    %c0_i32_0 = arith.constant 0 : i32
    %c0_i32_1 = arith.constant 0 : i32
    return %c0_i32, %arg0, %c0_i32_0 : i32, i32, i32
  }
  func.func @transform_2(%arg0: i32) -> (i32, i32, i32) {
    %c0_i32 = arith.constant 0 : i32
    %c0_i32_0 = arith.constant 0 : i32
    %c0_i32_1 = arith.constant 0 : i32
    return %c0_i32, %arg0, %c0_i32_0 : i32, i32, i32
  }
  func.func @transform_3(%arg0: i32) -> (i32, i32) {
    %c0_i32 = arith.constant 0 : i32
    %c0_i32_0 = arith.constant 0 : i32
    return %arg0, %c0_i32 : i32, i32
  }
  func.func @transform_4(%arg0: i32) -> (i32, i32) {
    %c0_i32 = arith.constant 0 : i32
    %c0_i32_0 = arith.constant 0 : i32
    return %arg0, %c0_i32 : i32, i32
  }
  func.func @transform_5(%arg0: i32) -> (i32, i32) {
    %c0_i32 = arith.constant 0 : i32
    %c0_i32_0 = arith.constant 0 : i32
    return %arg0, %c0_i32 : i32, i32
  }
  func.func @transform_6(%arg0: i32) -> (i32, i32) {
    %c0_i32 = arith.constant 0 : i32
    %c0_i32_0 = arith.constant 0 : i32
    return %arg0, %c0_i32 : i32, i32
  }
}

</mosaic_0001>

<sc_bundles>
// kernel: gather_offload_async_start
scs
__scs_entry_jumppad:
0x0: {  	(pc) =	sbr.rel $0x88, $3  }
0x1: {  	(tag) =	ssettag $0x0;
	lr =	simm.s32 $0x1  }
0x2: {  	[smem:$0x3F9D] =	sst lr;
	_ =	strace $0xD0000000  }
0x3: {  	_ = 	snop  }
0x4: {  	_ = 	snop  }
0x5: {  	_ = 	snop  }
0x6: {  	_ = 	snop  }
0x7: {  	_ = 	snop  }
__scs_overlays_trampoline_lowered:
0x8: {  	[smem:$0x3FAC] =	sst s0  }
0x9: {  	[smem:$0x3FAD] =	sst s1  }
0xa: {  	[smem:$0x3FAE] =	sst s2  }
0xb: {  	[smem:$0x3FAF] =	sst s3  }
0xc: {  	[smem:$0x3FB0] =	sst s4  }
0xd: {  	[smem:$0x3FB1] =	sst s5  }
0xe: {  	[smem:$0x3FB2] =	sst s6  }
0xf: {  	[smem:$0x3FB3] =	sst s7  }
0x10: {  	[smem:$0x3FB4] =	sst s8  }
0x11: {  	[smem:$0x3FB5] =	sst s9;
	s0 =	simm.s32 @!p0 $0x0  }
0x12: {  	s1 =	sld [smem:$0x3F9B];
	s0 =	simm.s32 @p0 $0x1  }
0x13: {  	[smem:$0x3FB6] =	sst s0;
	s0 =	simm.s32 @!p1 $0x0  }
0x14: {  	s2 =	sld [smem:$0x3F9A];
	s0 =	simm.s32 @p1 $0x1  }
0x15: {  	[smem:$0x3FB7] =	sst s0;
	s0 =	simm.s32 @!p2 $0x0  }
0x16: {  	s3 =	sld [smem:$0x3FDB];
	s0 =	simm.s32 @p2 $0x1  }
0x17: {  	s4 =	simm.s32 $0x1BF5;
	[smem:$0x3FB9] =	sst s0  }
0x18: {  	s0 =	sld [smem:$0x3F9C];
	_ =	swait.ge [sflag:s4], $0x0  }
0x19: {  	s7 =	sld [smem:$0x3F9D]  }
0x1a: {  	s8 =	sadd.s32 $0xFFFFE003, lr  }
0x1b: {  	s9 =	sadd.s32 $0xFFFFFEF7, lr;
	s5 =	simm.s32 $0xFFFFFFFF;
	p2 =	slt.u32 s8, $0xFFFFF086  }
0x1c: {  	p1 =	slt.u32 s9, $0xF7A;
	s5 =	simm.s32 @!p2 $0x0  }
0x1d: {  	s5 =	simm.s32 @p1 $0x1;
	p0 =	seq.s32 s7, s2  }
0x1e: {  	s7 =	smul.u32 @!p0 $0xF7A, s2;
	p2 =	seq.s32 @!p0 s5, $0x0  }
0x1f: {  	s9 =	smul.u32 $0xF7A, s1;
	s8 =	simm.s32 @!p0 $0x1BF5;
	p2 =	por !p2, p0  }
0x20: {  	[sflag:s8] =	ssyncset.s32 @!p0 $0xFFFFF086;
	s6 =	sadd.s32 @!p0 s3, s7;
	s7 =	simm.s32 @!p0 $0x108  }
0x21: {  	s3 =	sadd.s32 s3, s9;
	s6 =	sadd.s32 @!p0 $0x88, s6;
	s7 =	simm.s32 @p2 $0x1082  }
0x22: {  	[simem:s7], [sflag:s8] =	dma.local @!p0 [hbm:s6], $0xF7A  }
0x23: {  	s9 =	sor.u32 $0xD0000000, s2;
	s6 =	simm.s32 $0x108;
	_ =	swait.ge @!p0 [sflag:s8], $0x0  }
0x24: {  	s3 =	sadd.s32 $0x88, s3;
	s6 =	simm.s32 @!p1 $0x1082;
	[sflag:s4] =	ssyncset.s32 $0xFFFFF086  }
0x25: {  	[simem:s6], [sflag:s4] =	dma.local [hbm:s3], $0xF7A  }
0x26: {  	[smem:$0x3F9D] =	sst s1;
	(tag) =	ssettag s2;
	_ =	strace s9  }
0x27: {  	s1 =	sld [smem:$0x3FAD]  }
0x28: {  	s2 =	sld [smem:$0x3FAE]  }
0x29: {  	s4 =	sld [smem:$0x3FB0]  }
0x2a: {  	p0 =	seq.s32 s5, $0x0;
	s5 =	sld [smem:$0x3FB1]  }
0x2b: {  	s6 =	sld [smem:$0x3FB2]  }
0x2c: {  	s7 =	sld [smem:$0x3FB3]  }
0x2d: {  	s3 =	simm.s32 $0x108;
	s8 =	sld [smem:$0x3FB4]  }
0x2e: {  	s3 =	simm.s32 @!p0 $0x1082;
	s9 =	sld [smem:$0x3FB5]  }
0x2f: {  	lr =	sadd.s32 s0, s3;
	s0 =	sld [smem:$0x3FAC]  }
0x30: {  	s3 =	sld [smem:$0x3FAF]  }
0x31: {  	[smem:$0x3FB8] =	sst s10  }
0x32: {  	s10 =	sld [smem:$0x3FB6];
	_ =	sdelay $0x3  }
0x33: {  	p0 =	seq.s32 s10, $0x1;
	s10 =	sld [smem:$0x3FB8];
	_ =	sdelay $0x3  }
0x34: {  	[smem:$0x3FB8] =	sst s10  }
0x35: {  	s10 =	sld [smem:$0x3FB7];
	_ =	sdelay $0x3  }
0x36: {  	p1 =	seq.s32 s10, $0x1;
	s10 =	sld [smem:$0x3FB8];
	_ =	sdelay $0x3  }
0x37: {  	[smem:$0x3FB8] =	sst s10  }
0x38: {  	s10 =	sld [smem:$0x3FB9]  }
0x39: {  	_ = 	snop;
	(pc) =	sbr.ind lr, $3  }
0x3a: {  	_ = 	snop  }
0x3b: {  	_ = 	snop  }
0x3c: {  	p2 =	seq.s32 s10, $0x1;
	s10 =	sld [smem:$0x3FB8]  }
0x3d: {  	_ =	shalt  }
0x3e: {  	_ =	shalt  }
0x3f: {  	_ =	shalt  }
0x40: {  	_ =	shalt  }
0x41: {  	_ =	shalt  }
0x42: {  	_ =	shalt  }
0x43: {  	_ =	shalt  }
0x44: {  	_ =	shalt  }
0x45: {  	_ =	shalt  }
0x46: {  	_ =	shalt  }
0x47: {  	_ =	shalt  }
0x48: {  	_ =	shalt  }
0x49: {  	_ =	shalt  }
0x4a: {  	_ =	shalt  }
0x4b: {  	_ =	shalt  }
0x4c: {  	_ =	shalt  }
0x4d: {  	_ =	shalt  }
0x4e: {  	_ =	shalt  }
0x4f: {  	_ =	shalt  }
0x50: {  	_ =	shalt  }
0x51: {  	_ =	shalt  }
0x52: {  	_ =	shalt  }
0x53: {  	_ =	shalt  }
0x54: {  	_ =	shalt  }
0x55: {  	_ =	shalt  }
0x56: {  	_ =	shalt  }
0x57: {  	_ =	shalt  }
0x58: {  	_ =	shalt  }
0x59: {  	_ =	shalt  }
0x5a: {  	_ =	shalt  }
0x5b: {  	_ =	shalt  }
0x5c: {  	_ =	shalt  }
0x5d: {  	_ =	shalt  }
0x5e: {  	_ =	shalt  }
0x5f: {  	_ =	shalt  }
0x60: {  	_ =	shalt  }
0x61: {  	_ =	shalt  }
0x62: {  	_ =	shalt  }
0x63: {  	_ =	shalt  }
0x64: {  	_ =	shalt  }
0x65: {  	_ =	shalt  }
0x66: {  	_ =	shalt  }
0x67: {  	_ =	shalt  }
0x68: {  	_ =	shalt  }
0x69: {  	_ =	shalt  }
0x6a: {  	_ =	shalt  }
0x6b: {  	_ =	shalt  }
0x6c: {  	_ =	shalt  }
0x6d: {  	_ =	shalt  }
0x6e: {  	_ =	shalt  }
0x6f: {  	_ =	shalt  }
0x70: {  	_ =	shalt  }
0x71: {  	_ =	shalt  }
0x72: {  	_ =	shalt  }
0x73: {  	_ =	shalt  }
0x74: {  	_ =	shalt  }
0x75: {  	_ =	shalt  }
0x76: {  	_ =	shalt  }
0x77: {  	_ =	shalt  }
0x78: {  	_ =	shalt  }
0x79: {  	_ =	shalt  }
0x7a: {  	_ =	shalt  }
0x7b: {  	_ =	shalt  }
0x7c: {  	_ =	shalt  }
0x7d: {  	_ =	shalt  }
0x7e: {  	_ =	shalt  }
0x7f: {  	_ =	shalt  }
0x80: {  	_ =	shalt  }
0x81: {  	_ =	shalt  }
0x82: {  	_ =	shalt  }
0x83: {  	_ =	shalt  }
0x84: {  	_ =	shalt  }
0x85: {  	_ =	shalt  }
0x86: {  	_ =	shalt  }
0x87: {  	_ =	shalt  }
.Lfunc_end0:
.L_simem_size_0:
called_computation_lowered:
.L_overlay_start_0:
0x88: {  	s0 =	sld [smem:$0x3FD9]  }
0x89: {  	s1 =	sld [smem:$0x3FFE];
	_ =	sdelay $0x3  }
0x8a: {  	s0 =	sadd.s32 s1, s0  }
0x8b: {  	[smem:$0x3FC4] =	sst s0  }
0x8c: {  	_ = 	snop  }
0x8d: {  	s0 =	sld [smem:$0x3FD0];
	_ =	sdelay $0x2  }
0x8e: {  	s14 =	simm.s32 $0xA;
	s2 =	simm.s32 $0x10  }
0x8f: {  	[smem:s2], [sflag:s14] =	dma.local [hbm:s0], $0x1  }
0x90: {  	_ =	swait.eq [sflag:s14], $0x1  }
0x91: {  	s15 =	sld [smem:$0x11];
	[sflag:s14] =	ssyncset.done $0x0  }
0x92: {  	s16 =	sld [smem:$0x12];
	[sflag:s14] =	ssyncadd.s32 $0xFFFFFFFF  }
0x93: {  	s17 =	sld [smem:$0x13];
	(tm) =	ssettm $0x1  }
0x94: {  	s3 =	sld [smem:$0x3FFB];
	_ =	sdelay $0x3  }
0x95: {  	_ =	strace s3  }
0x96: {  	s3 =	sld [smem:$0x3FFC];
	_ =	sdelay $0x3  }
0x97: {  	_ =	strace s3  }
0x98: {  	s3 =	sld [smem:$0x3FFD];
	_ =	sdelay $0x3  }
0x99: {  	_ =	strace s3  }
0x9a: {  	_ =	strace $0x8FFFFFFF  }
0x9b: {  	s18 =	sld [smem:$0x3FDB];
	_ =	sdelay $0x1  }
0x9c: {  	s4 =	simm.s32 $_scs_section_size  }
0x9d: {  	s5 =	simm.s32 $_size__tile_overlayer_lowered;
	s6 =	simm.s32 $_tile_overlayer_lowered  }
0x9e: {  	s21 =	simm.s32 $0x1BFF;
	s20 =	sshll.u32 s6, $0x1;
	s3 =	sadd.s32 s4, s18  }
0x9f: {  	s7 =	simm.s32 $0x0;
	s19 =	sshll.u32 s5, $0x1;
	s5 =	sadd.s32 s20, s3  }
0xa0: {  	[timem:s7], [sflag:s21] =	dma.local [hbm:s5], s19  }
0xa1: {  	_ =	swait.ge [sflag:s21], s19  }
0xa2: {  	s4 =	ssub.s32 $0x0, s19;
	[sflag:s21] =	ssyncset.done $0x0  }
0xa3: {  	[sflag:s21] =	ssyncadd.s32 s4;
	_ =	sdelay $0x1  }
0xa4: {  	s22 =	simm.s32 $0x1B8B  }
0xa5: {  	_ =	swait.ge [sflag:s22], $0x1  }
0xa6: {  	[sflag:s22] =	ssyncset.done $0x0  }
0xa7: {  	s23 =	simm.s32 $0x1B8E;
	[sflag:s22] =	ssyncadd.s32 $0xFFFFFFFF  }
0xa8: {  	s24 =	simm.s32 $execute0_lowered;
	[smem:$0x3FD2] =	sst s23  }
0xa9: {  	s4 =	sshll.u32 s24, $0x1;
	_ =	strace $0x80000046;
	[dreg:$0x1] =	wrdreg $0xFFFFFFFF  }
0xaa: {  	s25 =	simm.s32 $_size_execute0_lowered;
	s3 =	sadd.s32 s3, s4;
	[dreg:$0x0] =	wrdreg $0x0  }
0xab: {  	s4 =	sshll.u32 s25, $0x1;
	[dreg:$0x2] =	wrdreg s3  }
0xac: {  	[dreg:$0x3] =	wrdreg s4  }
0xad: {  	[dreg:$0x4] =	wrdreg $0xC0  }
0xae: {  	_ =	task [dreg:s7], $0x5FFFF  }
0xaf: {  	[dreg:$0x1] =	wrdreg $0xFFFFFFFF  }
0xb0: {  	[dreg:$0x0] =	wrdreg $0x60  }
0xb1: {  	[dreg:$0x2] =	wrdreg s17  }
0xb2: {  	[dreg:$0x3] =	wrdreg s15  }
0xb3: {  	[dreg:$0x4] =	wrdreg s16  }
0xb4: {  	[dreg:$0x5] =	wrdreg $0x9  }
0xb5: {  	_ =	task.clear_ibuf [dreg:s7], $0x6FFFF;
	_ =	strace $0x90000046  }
0xb6: {  	s26 =	simm.s32 $0x9;
	_ =	strace $0x80000048  }
0xb7: {  	_ =	swait.ge [sflag:s26], $0x1  }
0xb8: {  	[sflag:s26] =	ssyncadd.s32 $0xFFFFFFFF  }
0xb9: {  	_ =	strace $0x90000048  }
0xba: {  	_ =	sfence  }
0xbb: {  	s28 =	sld [smem:$0x0];
	_ =	sdelay $0x1  }
0xbc: {  	s29 =	srdreg.scid  }
0xbd: {  	s30 =	sshll.u32 s29, $0xD;
	s31 =	sshrl.u32 s29, $0x2  }
0xbe: {  	s1 =	sand.u32 $0x1, s29;
	s2 =	sand.u32 $0x4000, s30;
	s0 =	sadd.s32 s31, s28  }
0xbf: {  	s1 =	sor.u32 s2, s1;
	s0 =	sshll.u32 s0, $0x11  }
0xc0: {  	s0 =	sor.u32 s0, s1  }
0xc1: {  	s0 =	sadd.s32 $0x8F2B, s0  }
0xc2: {  	[sflag:s0] =	ssyncadd.remote.s32 $0x1  }
0xc3: {  	_ =	sfence.sel $0xFFFF  }
0xc4: {  	[dreg:$0x0] =	wrdreg $0xFFFFFFFF;
	(pc) =	sbr.abs _section_cstart, $3  }
0xc5: {  	[dreg:$0x1] =	wrdreg $0xFFFFFFFF  }
0xc6: {  	_ =	task.clear_ibuf [dreg:s7], $0x2FFFF;
	_ =	strace $0x9FFFFFFF  }
0xc7: {  	(tm) =	ssettm $0x7FFFFFFF  }
tec
execute0_lowered:
.L_overlay_start_1:
0x0: {  	(tag) =	ssettag $0x1  }
0x1: {  	s0 =	stileid.u32  }
0x2: {  	s1 =	smin.u32 s0, $0x9  }
0x3: {  	s1 =	sadd.s32 s0, s1  }
0x4: {  	s2 =	simm.s32 $0xA0;
	p0 =	slt.u32 s0, $0x9;
	s1 =	smul.u32 $0x50, s1  }
0x5: {  	s2 =	simm.s32 @!p0 $0x50  }
0x6: {  	s2 =	sadd.s32 s2, s1  }
0x7: {  	s3 =	smin.u32 s2, $0x7D0  }
0x8: {  	s8 =	ssub.s32 s3, s1  }
0x9: {  	p0 =	sgt.s32 s8, $0x0  }
0xa: {  	s8 =	simm.s32 @!p0 $0x0  }
0xb: {  	s4 =	rddreg [dreg:$0x0];
	s31 =	smul.u32 $0xCCCD, s8  }
0xc: {  	s5 =	rddreg [dreg:$0x1]  }
0xd: {  	s6 =	rddreg [dreg:$0x2];
	s7 =	simm.s32 $0x1;
	s9 =	sshrl.u32 s31, $0x16  }
0xe: {  	s11 =	simm.s32 $0x3;
	s13 =	simm.s32 $0x0;
	s10 =	smul.u32 $0x50, s9  }
.Ltmp0:
0xf: {  	s12 =	simm.s32 $0x0;
	s2 =	rddreg [dreg:$0x3];
	(pc) =	sbr.rel .LBB2_1-.Ltmp0, $4  }
0x10: {  	_ =	strace $0x80000047;
	p0 =	sne.s32 s8, s10;
	s10 =	simm.s32 $0x1  }
0x11: {  	[sflag:s7] =	ssyncpa.u1 $0x0;
	s8 =	simm.s32 $0x2;
	s10 =	simm.s32 @!p0 $0x0  }
0x12: {  	[sflag:s8] =	ssyncpa.u1 $0x0;
	p0 =	por $0x0, $0x0;
	s9 =	sadd.s32 s9, s10  }
0x13: {  	vm0 =	vmmov $0xff;
	vm1 =	vcmask $0x3F20;
	[sflag:s11] =	ssyncpa.u1 $0x0;
	s11 =	smov.u32 s1;
	s10 =	sadd.s32 $0x1, s9  }
.LBB2_6:
0x14: {  	[hbm:s17] =	stream.linear.scatter [tilespmem:s14], [sflag:$0x3], $0x400, $0x38;
	[tilespmem:$0x50A0] =	vst v63  }
.LBB2_7:
0x15: {  	s13 =	sadd.s32 $0x50, s11  }
0x16: {  	s15 =	smov.u32 s1;
	p2 =	slt.s32 s13, s3  }
0x17: {  	s15 =	smov.u32 @p2 s13;
	p2 =	sne.s32 s12, s10  }
.Ltmp1:
0x18: {  	p1 =	slt.u32 s12, $0x2;
	(pc) =	sbr.rel @!p2 .LBB2_8-.Ltmp1, $4  }
0x19: {  	s14 =	simm.s32 @!p1 $0x3  }
0x1a: {  	s16 =	sadd.s32 $0x1, s12;
	_ =	swait.ge @!p1 [sflag:s14], $0x2800  }
0x1b: {  	p0 =	por !p0, !p0;
	s13 =	smov.u32 s11;
	[sflag:s14] =	ssyncset.done @!p1 $0x0  }
0x1c: {  	s12 =	smov.u32 s16;
	s11 =	smov.u32 s15;
	[sflag:s14] =	ssyncadd.s32 @!p1 $0xFFFFD800  }
.LBB2_1:
0x1d: {  	p1 =	sge.u32 s12, s9  }
0x1e: {  	s14 =	sxor.u32 @!p1 $0xFFFFFFFF, s12  }
0x1f: {  	s14 =	sand.u32 @!p1 $0x1, s14  }
0x20: {  	s14 =	smul.u32 @!p1 $0x140, s14  }
0x21: {  	s31 =	sadd.s32 $0xFFFFFFFF, s12;
	s15 =	sshrl.u32 @!p1 s11, $0x3  }
0x22: {  	s16 =	sand.u32 @!p1 $0x7, s11;
	s15 =	sadd.s32 @!p1 s5, s15;
	s14 =	sshrl.u32 @!p1 s14, $0x2  }
0x23: {  	[tilespmem:s14], [sflag:$0x2] =	stream.linear.gather @!p1 [hbm4b:s15+s16], $0x50, $0x38;
	[tilespmem:$0x50A0] =	vst v63  }
0x24: {  	p1 =	sge.u32 s31, s9  }
.Ltmp2:
0x25: {  	_ = 	snop;
	(pc) =	sbr.rel @p1 .LBB2_7-.Ltmp2, $1  }
0x26: {  	_ =	sdelay $0x3  }
0x27: {  	s14 =	simm.s32 $0x1  }
0x28: {  	s14 =	simm.s32 @!p0 $0x0  }
0x29: {  	s15 =	smul.u32 $0x140, s14  }
0x2a: {  	_ =	swait.ge [sflag:s8], $0x50  }
0x2b: {  	[sflag:s8] =	ssyncset.done $0x0;
	s16 =	sshrl.u32 s15, $0x2  }
0x2c: {  	[sflag:s8] =	ssyncadd.s32 $0xFFFFFFB0;
	s15 =	sadd.s32 $0x0, s16  }
0x2d: {  	v0 =	vld.msk [tilespmem:s15+$0x0 ss:$0x1], $0xffff;
	_ =	sdelay $0x4  }
0x2e: {  	vm2 =	vgt.s32 v0, $0x0  }
0x2f: {  	v0 =	vnsel vm2, $0x0, v0  }
0x30: {  	v0 =	vmin.u32 v0, $0x7CF  }
0x31: {  	v0 =	vshll.u32 v0, $0x4  }
0x32: {  	s14 =	smul.u32 $0xA000, s14;
	_ =	sdelay $0x1  }
0x33: {  	s14 =	sshrl.u32 s14, $0x2  }
0x34: {  	s14 =	sor.u32 $0xA0, s14  }
0x35: {  	[tilespmem:s14], [sflag:$0x1] =	stream.indirect_vreg.gather [hbm:s4], $0x80, v0, vm0, $0x38;
	[tilespmem:$0x50A0] =	vst v63  }
0x36: {  	s17 =	sadd.s32 $0x10, s16;
	s15 =	sadd.s32 $0x400, s14  }
0x37: {  	[tilespmem:s15], [sflag:$0x1] =	stream.indirect_vreg.gather [hbm:s4], $0x80, v0, vm1, $0x38;
	[tilespmem:$0x50A0] =	vst v63  }
0x38: {  	s18 =	simm.s32 $0x80;
	v0 =	vld.msk [tilespmem:s17+$0x0 ss:$0x1], $0xffff;
	s17 =	smov.u32 s14  }
.LBB2_3:
0x39: {  	p1 =	sne.s32 s18, $0x100;
	_ =	sdelay $0x4  }
0x3a: {  	vm2 =	vgt.s32 v0, $0x0  }
0x3b: {  	v0 =	vnsel vm2, $0x0, v0  }
0x3c: {  	v0 =	vmin.u32 v0, $0x7CF  }
0x3d: {  	v0 =	vshll.u32 v0, $0x4;
	_ =	sdelay $0x3  }
.Ltmp3:
0x3e: {  	s19 =	sshra.s32 s18, $0x2;
	s17 =	sadd.s32 $0x800, s17;
	(pc) =	sbr.rel @p1 .LBB2_3-.Ltmp3, $4  }
0x3f: {  	[tilespmem:s17], [sflag:$0x1] =	stream.indirect_vreg.gather [hbm:s4], $0x80, v0, vm0, $0x38;
	[tilespmem:$0x50A0] =	vst v63  }
0x40: {  	s19 =	sadd.s32 s19, s16;
	s20 =	sadd.s32 $0x400, s17  }
0x41: {  	[tilespmem:s20], [sflag:$0x1] =	stream.indirect_vreg.gather [hbm:s4], $0x80, v0, vm1, $0x38;
	[tilespmem:$0x50A0] =	vst v63  }
0x42: {  	s18 =	sadd.s32 $0x40, s18;
	v0 =	vld.msk [tilespmem:s19+$0x0 ss:$0x1], $0xffff  }
0x43: {  	_ =	sdelay $0x3  }
0x44: {  	vm2 =	vgt.s32 v0, $0x0  }
0x45: {  	v0 =	vnsel vm2, $0x0, v0  }
0x46: {  	v0 =	vmin.u32 v0, $0x7CF  }
0x47: {  	v0 =	vshll.u32 v0, $0x4;
	_ =	sdelay $0x3  }
0x48: {  	s16 =	sadd.s32 $0x800, s17  }
0x49: {  	[tilespmem:s16], [sflag:$0x1] =	stream.indirect_vreg.gather [hbm:s4], $0x80, v0, vm0, $0x38;
	[tilespmem:$0x50A0] =	vst v63  }
0x4a: {  	s16 =	sadd.s32 $0x400, s16  }
0x4b: {  	[tilespmem:s16], [sflag:$0x1] =	stream.indirect_vreg.gather [hbm:s4], $0x80, v0, vm1, $0x38;
	[tilespmem:$0x50A0] =	vst v63  }
0x4c: {  	s13 =	sshll.u32 s13, $0x4;
	_ =	swait.ge [sflag:s7], $0x2800  }
0x4d: {  	s13 =	sadd.s32 s13, s6;
	[sflag:s7] =	ssyncset.done $0x0  }
0x4e: {  	s17 =	sadd.s32 $0x0, s13;
	s16 =	simm.s32 $0x80;
	[sflag:s7] =	ssyncadd.s32 $0xFFFFD800  }
.LBB2_5:
0x4f: {  	[hbm:s17] =	stream.linear.scatter [tilespmem:s14], [sflag:$0x3], $0x400, $0x38;
	[tilespmem:$0x50A0] =	vst v63  }
0x50: {  	s17 =	smov.u32 s16;
	s14 =	smov.u32 s15;
	p1 =	sne.s32 s16, $0x480  }
.Ltmp4:
0x51: {  	s16 =	sadd.s32 $0x80, s16;
	(pc) =	sbr.rel @p1 .LBB2_5-.Ltmp4, $2  }
0x52: {  	_ =	sdelay $0x2  }
0x53: {  	s15 =	sadd.s32 $0x400, s15;
	s17 =	sadd.s32 s17, s13  }
.Ltmp5:
0x54: {  	_ = 	snop;
	(pc) =	sbr.rel .LBB2_6-.Ltmp5, $1  }
0x55: {  	_ =	sdelay $0x3  }
.LBB2_8:
0x56: {  	_ =	sfence.sel $0x180000  }
0x57: {  	s1 =	simm.s32 $0x2;
	[bflag:$0x0] =	sbarrier.arrive $0xFFFF  }
0x58: {  	s30 =	simm.s32 $0x3;
	[sflag:s1] =	ssyncpa.u1 $0x1  }
0x59: {  	s31 =	simm.s32 $0x1;
	[sflag:s30] =	ssyncpa.u1 $0x1  }
0x5a: {  	[sflag:s31] =	ssyncpa.u1 $0x1  }
0x5b: {  	p0 =	sne.s32 s0, $0x0;
	_ =	strace $0x90000047  }
0x5c: {  	s0 =	sadd.s32 @!p0 $0x100000, s2;
	[bflag:$0x2] =	sbarrier.arrive $0xFFFF  }
0x5d: {  	[sflag:s0] =	ssyncadd.tile.s32 @!p0 $0x1;
	_ =	shalt  }
.Lfunc_end2:
_tile_overlayer_lowered:
.L_overlay_start_2:
0x5e: {  	(tag) =	ssettag $0x2  }
0x5f: {  	s0 =	rddreg [dreg:$0x0];
	s2 =	stileid.u32  }
0x60: {  	s1 =	rddreg [dreg:$0x1];
	p0 =	sne.s32 s2, $0x0  }
0x61: {  	s3 =	rddreg [dreg:$0x2];
	[bflag:$0x3] =	sbarrier.arrive $0xFFFF;
	s2 =	simm.s32 @!p0 $0x1C01  }
0x62: {  	[timem:s3], [sflag:s2] =	dma.local @!p0 [hbm:s0], s1  }
0x63: {  	s0 =	simm.s32 @!p0 $0x1  }
0x64: {  	_ =	swait.ge @!p0 [sflag:s0], s1  }
0x65: {  	s1 =	ssub.s32 @!p0 $0x0, s1;
	[sflag:s0] =	ssyncset.done @!p0 $0x0  }
0x66: {  	[sflag:s0] =	ssyncadd.s32 @!p0 s1  }
0x67: {  	[bflag:$0x3] =	sbarrier.arrive $0xFFFF  }
0x68: {  	_ =	shalt  }

</sc_bundles>
